<compile_context>
chip_gen: v7x
topology: tpu7x:2x2x1
jax: 0.10.2.dev20260603
libtpu: 0.0.44.dev20260713+nightly
codegen_flags: <defaults>
</compile_context>

<pallas_src>
import functools

import jax
import jax.numpy as jnp
from jax import lax
from jax.experimental import pallas as pl
from jax.experimental.pallas import tpu as pltpu
from jax.experimental.pallas import tpu_sc as plsc

K = 1024
D = 64
BN = 2048

NC = 2
NS = 16
NW = NC * NS
CHUNK = 128
PD = 128
NBUF = 7


def _tc_body(x_ref, cbt_ref, cb_ref, idx_ref, loss_ref, acc_ref):
    i = pl.program_id(0)
    nsteps = pl.num_programs(0)
    x = x_ref[:, :]
    cbt = cbt_ref[:, :]
    e2 = jnp.sum(cbt * cbt, axis=0, keepdims=True)
    x2 = jnp.sum(x * x, axis=1, keepdims=True)
    dot2 = lax.dot_general(x * 2.0, cb_ref[:, :], (((1,), (1,)), ((), ())),
                           preferred_element_type=jnp.float32)
    d2 = x2 + e2 - dot2
    d2c = jnp.maximum(d2, 0.0)
    minv = jnp.min(d2c, axis=1, keepdims=True)
    s = jnp.sqrt(minv)
    mi = lax.bitcast_convert_type(minv, jnp.int32)
    yhi = minv
    ok = minv >= 0.0
    for j in range(1, 6):
        yj = lax.bitcast_convert_type(mi + j, jnp.float32)
        ok = jnp.logical_and(ok, jnp.sqrt(yj) == s)
        yhi = jnp.where(ok, yj, yhi)
    iota_row = lax.broadcasted_iota(jnp.int32, (1, K), 1).astype(jnp.float32)
    idxf = jnp.min(jnp.where(d2c <= yhi, iota_row, float(K)), axis=1)
    idx_ref[:] = idxf.astype(jnp.int32)

    @pl.when(i == 0)
    def _init():
        acc_ref[0] = 0.0

    acc_ref[0] += jnp.sum(minv)

    @pl.when(i == nsteps - 1)
    def _fin():
        n_total = nsteps * BN
        loss_ref[0, 0] = acc_ref[0] * (1.25 / (n_total * D))


def _tc_distance_argmin(flat, cbt, cb):
    n = flat.shape[0]
    return pl.pallas_call(
        _tc_body,
        grid=(n // BN,),
        in_specs=[
            pl.BlockSpec((BN, D), lambda i: (i, 0)),
            pl.BlockSpec((D, K), lambda i: (0, 0)),
            pl.BlockSpec((K, D), lambda i: (0, 0)),
        ],
        out_specs=[
            pl.BlockSpec((BN,), lambda i: (i,)),
            pl.BlockSpec(memory_space=pltpu.SMEM),
        ],
        out_shape=[
            jax.ShapeDtypeStruct((n,), jnp.int32),
            jax.ShapeDtypeStruct((1, 1), jnp.float32),
        ],
        scratch_shapes=[pltpu.SMEM((1,), jnp.float32)],
    )(flat, cbt, cb)


def _make_sc_gather(n_rows):
    n_chunks = n_rows // CHUNK
    rows_per_w = n_chunks // NW
    per_w = rows_per_w * CHUNK
    mesh = plsc.VectorSubcoreMesh(core_axis_name="c", subcore_axis_name="s")

    @functools.partial(
        pl.kernel,
        mesh=mesh,
        out_type=jax.ShapeDtypeStruct((n_chunks, CHUNK, PD), jnp.float32),
        scratch_types=[
            pltpu.VMEM((per_w,), jnp.int32),
            pltpu.VMEM((NBUF, CHUNK, PD), jnp.float32),
            pltpu.SemaphoreType.DMA,
            pltpu.SemaphoreType.DMA,
        ],
    )
    def sc_gather(cb_hbm, idx_hbm, out_hbm, idx_v, rows_v, semg, semw):
        wid = lax.axis_index("s") * NC + lax.axis_index("c")
        base = wid * rows_per_w
        pltpu.sync_copy(idx_hbm.at[pl.ds(wid * per_w, per_w)], idx_v)

        def gather(j, b):
            return pltpu.async_copy(
                cb_hbm.at[idx_v.at[pl.ds(j * CHUNK, CHUNK)]], rows_v.at[b],
                semg)

        nfly = min(NBUF, rows_per_w)
        g = [None] * rows_per_w
        w = [None] * rows_per_w
        for j in range(nfly):
            g[j] = gather(j, j)
        for j in range(rows_per_w):
            g[j].wait()
            if j + NBUF < rows_per_w:
                pltpu.sync_copy(rows_v.at[j % NBUF], out_hbm.at[base + j])
                g[j + NBUF] = gather(j + NBUF, j % NBUF)
            else:
                w[j] = pltpu.async_copy(
                    rows_v.at[j % NBUF], out_hbm.at[base + j], semw)
        for cp in w:
            if cp is not None:
                cp.wait()

    return sc_gather


def kernel(z_e, codebook):
    shape = z_e.shape
    flat = z_e.reshape(-1, D)
    n = flat.shape[0]
    idx, loss = _tc_distance_argmin(flat, codebook.T, codebook)
    cb_pad = jnp.pad(codebook, ((0, 0), (0, PD - D)))
    z_q = _make_sc_gather(n)(cb_pad, idx)
    return (z_q[..., :D].reshape(shape), loss[0, 0], idx.reshape(shape[:-1]))

# --- scband reference (transcript-rebuilt; emitter-appended) ---
"""Pipeline reference for scband-vector-quantizer-11106785427820 (READ-ONLY COPY).

The authoritative reference and input builder live on the scoring server;
editing this copy changes nothing except your own understanding.
"""

import jax, jax.numpy as jnp
import numpy as np

NUM_EMBEDDINGS = 1024
EMBEDDING_DIM = 64
COMMITMENT_COST = 0.25


def setup_inputs(seed: int = 0) -> dict:
    key = jax.random.key(seed)
    k1, k2 = jax.random.split(key)
    z_e = jax.random.normal(k1, (64, 576, 64), dtype=jnp.float32)
    # xavier_uniform init for embedding weight [K, D]
    fan_in, fan_out = EMBEDDING_DIM, NUM_EMBEDDINGS
    limit = float(np.sqrt(6.0 / (NUM_EMBEDDINGS + EMBEDDING_DIM)))
    codebook = jax.random.uniform(k2, (NUM_EMBEDDINGS, EMBEDDING_DIM), dtype=jnp.float32, minval=-limit, maxval=limit)
    return {"z_e": z_e, "codebook": codebook}


def reference(z_e, codebook):
    input_shape = z_e.shape
    flat_input = z_e.reshape(-1, EMBEDDING_DIM)
    # Euclidean distances (torch.cdist p=2)
    x2 = jnp.sum(flat_input ** 2, axis=1, keepdims=True)          # [N,1]
    e2 = jnp.sum(codebook ** 2, axis=1)[None, :]                   # [1,K]
    d2 = x2 + e2 - 2.0 * flat_input @ codebook.T                   # [N,K]
    distances = jnp.sqrt(jnp.maximum(d2, 0.0))
    encoding_indices = jnp.argmin(distances, axis=-1)              # [N]
    z_q = jnp.take(codebook, encoding_indices, axis=0).reshape(input_shape)
    codebook_loss = jnp.mean((z_q - jax.lax.stop_gradient(z_e)) ** 2)
    commitment_loss = jnp.mean((z_e - jax.lax.stop_gradient(z_q)) ** 2)
    vq_loss = codebook_loss + COMMITMENT_COST * commitment_loss
    # straight-through estimator
    z_q = z_e + jax.lax.stop_gradient(z_q - z_e)
    return (z_q, vq_loss, encoding_indices.reshape(input_shape[:-1]))

if __name__ == "__main__":
    import jax
    _d = setup_inputs()
    print(jax.jit(kernel)(*tuple(_d.values())))

</pallas_src>

<mosaic_0001>
#map = affine_map<(d0, d1) -> (0, 0)>
#map1 = affine_map<(d0, d1) -> (0)>
#map2 = affine_map<(d0, d1) -> (0, 0, 0)>
module attributes {stable_mosaic.version = 14 : i64} {
  func.func @sc_gather(%arg0: i32, %arg1: i32, %arg2: memref<1024x128xf32, #tpu.memory_space<hbm>>, %arg3: memref<36864xi32, #tpu.memory_space<hbm>>, %arg4: memref<288x128x128xf32, #tpu.memory_space<hbm>>, %arg5: memref<1152xi32, #tpu.memory_space<vmem>>, %arg6: memref<7x128x128xf32, #tpu.memory_space<vmem>>, %arg7: memref<!tpu.dma_semaphore, #tpu.memory_space<semaphore_mem>>, %arg8: memref<!tpu.dma_semaphore, #tpu.memory_space<semaphore_mem>>) attributes {dimension_semantics = [#tpu.dimension_semantics<core_parallel>, #tpu.dimension_semantics<subcore_parallel>], iteration_bounds = array<i64: 2, 16>, scalar_prefetch = 0 : i64, scratch_operands = 4 : i64, tpu.core_type = #tpu.core_type<sc_vector_subcore>, window_params = [{transform_indices = #map}, {transform_indices = #map1}, {transform_indices = #map2}]} {
    %mul3A = arith.constant 2 : i32
    %mul3A_0 = arith.muli %arg1, %mul3A : i32
    %add3A = arith.addi %mul3A_0, %arg0 : i32
    %mul3A_1 = arith.constant 9 : i32
    %mul3A_2 = arith.muli %add3A, %mul3A_1 : i32
    %mul3A_3 = arith.constant 1152 : i32
    %mul3A_4 = arith.muli %add3A, %mul3A_3 : i32
    "tpu.region"() ({
      %run_scoped3A_440 = tpu.sem_alloc : memref<!tpu.dma_semaphore, #tpu.memory_space<semaphore_mem>>
      %dma_start3A_441 = tpu.memref_slice %arg3[%mul3A_4] : memref<36864xi32, #tpu.memory_space<hbm>> -> memref<1152xi32, #tpu.memory_space<hbm>>
      %dma_start3A_442 = tpu.memref_slice %arg3[%mul3A_4] : memref<36864xi32, #tpu.memory_space<hbm>> -> memref<1152xi32, #tpu.memory_space<hbm>>
      tpu.enqueue_dma source(%dma_start3A_442 : memref<1152xi32, #tpu.memory_space<hbm>>) target(%arg5 : memref<1152xi32, #tpu.memory_space<vmem>>) target_semaphore(%run_scoped3A_440 : memref<!tpu.dma_semaphore, #tpu.memory_space<semaphore_mem>>)
      %dma_wait3A_443 = tpu.memref_slice %arg3[%mul3A_4] : memref<36864xi32, #tpu.memory_space<hbm>> -> memref<1152xi32, #tpu.memory_space<hbm>>
      %dma_wait3A_444 = tpu.memref_slice %arg3[%mul3A_4] : memref<36864xi32, #tpu.memory_space<hbm>> -> memref<1152xi32, #tpu.memory_space<hbm>>
      tpu.wait_dma2 semaphore(%run_scoped3A_440 : memref<!tpu.dma_semaphore, #tpu.memory_space<semaphore_mem>>) src(%dma_wait3A_444 : memref<1152xi32, #tpu.memory_space<hbm>>) dst(%arg5 : memref<1152xi32, #tpu.memory_space<vmem>>)
      tpu.yield
    }) : () -> ()
    %dma_start3A = arith.constant 0 : i32
    %dma_start3A_5 = arith.constant 0 : i32
    %dma_start3A_6 = arith.constant 0 : i32
    %dma_start3A_7 = tpu.memref_slice %arg6[%dma_start3A, %dma_start3A_5, %dma_start3A_6] : memref<7x128x128xf32, #tpu.memory_space<vmem>> -> memref<1x128x128xf32, #tpu.memory_space<vmem>>
    %dma_start3A_8 = tpu.memref_squeeze %dma_start3A_7 : memref<1x128x128xf32, #tpu.memory_space<vmem>> -> memref<128x128xf32, #tpu.memory_space<vmem>>
    %dma_start3A_9 = arith.constant 0 : i32
    %dma_start3A_10 = tpu.memref_slice %arg5[%dma_start3A_9] : memref<1152xi32, #tpu.memory_space<vmem>> -> memref<128xi32, #tpu.memory_space<vmem>>
    %dma_start3A_11 = arith.constant 0 : i32
    %dma_start3A_12 = arith.constant 0 : i32
    %dma_start3A_13 = tpu.memref_slice %arg2[%dma_start3A_11, %dma_start3A_12] : memref<1024x128xf32, #tpu.memory_space<hbm>> -> memref<1024x128xf32, #tpu.memory_space<hbm>>
    tpu.enqueue_indirect_dma source(%dma_start3A_13 : memref<1024x128xf32, #tpu.memory_space<hbm>>) target(%dma_start3A_8 : memref<128x128xf32, #tpu.memory_space<vmem>>) offsets(%dma_start3A_10 : memref<128xi32, #tpu.memory_space<vmem>>) semaphore(%arg7 : memref<!tpu.dma_semaphore, #tpu.memory_space<semaphore_mem>>)
    %dma_start3A_14 = arith.constant 1 : i32
    %dma_start3A_15 = arith.constant 0 : i32
    %dma_start3A_16 = arith.constant 0 : i32
    %dma_start3A_17 = tpu.memref_slice %arg6[%dma_start3A_14, %dma_start3A_15, %dma_start3A_16] : memref<7x128x128xf32, #tpu.memory_space<vmem>> -> memref<1x128x128xf32, #tpu.memory_space<vmem>>
    %dma_start3A_18 = tpu.memref_squeeze %dma_start3A_17 : memref<1x128x128xf32, #tpu.memory_space<vmem>> -> memref<128x128xf32, #tpu.memory_space<vmem>>
    %dma_start3A_19 = arith.constant 128 : i32
    %dma_start3A_20 = tpu.memref_slice %arg5[%dma_start3A_19] : memref<1152xi32, #tpu.memory_space<vmem>> -> memref<128xi32, #tpu.memory_space<vmem>>
    %dma_start3A_21 = arith.constant 0 : i32
    %dma_start3A_22 = arith.constant 0 : i32
    %dma_start3A_23 = tpu.memref_slice %arg2[%dma_start3A_21, %dma_start3A_22] : memref<1024x128xf32, #tpu.memory_space<hbm>> -> memref<1024x128xf32, #tpu.memory_space<hbm>>
    tpu.enqueue_indirect_dma source(%dma_start3A_23 : memref<1024x128xf32, #tpu.memory_space<hbm>>) target(%dma_start3A_18 : memref<128x128xf32, #tpu.memory_space<vmem>>) offsets(%dma_start3A_20 : memref<128xi32, #tpu.memory_space<vmem>>) semaphore(%arg7 : memref<!tpu.dma_semaphore, #tpu.memory_space<semaphore_mem>>)
    %dma_start3A_24 = arith.constant 2 : i32
    %dma_start3A_25 = arith.constant 0 : i32
    %dma_start3A_26 = arith.constant 0 : i32
    %dma_start3A_27 = tpu.memref_slice %arg6[%dma_start3A_24, %dma_start3A_25, %dma_start3A_26] : memref<7x128x128xf32, #tpu.memory_space<vmem>> -> memref<1x128x128xf32, #tpu.memory_space<vmem>>
    %dma_start3A_28 = tpu.memref_squeeze %dma_start3A_27 : memref<1x128x128xf32, #tpu.memory_space<vmem>> -> memref<128x128xf32, #tpu.memory_space<vmem>>
    %dma_start3A_29 = arith.constant 256 : i32
    %dma_start3A_30 = tpu.memref_slice %arg5[%dma_start3A_29] : memref<1152xi32, #tpu.memory_space<vmem>> -> memref<128xi32, #tpu.memory_space<vmem>>
    %dma_start3A_31 = arith.constant 0 : i32
    %dma_start3A_32 = arith.constant 0 : i32
    %dma_start3A_33 = tpu.memref_slice %arg2[%dma_start3A_31, %dma_start3A_32] : memref<1024x128xf32, #tpu.memory_space<hbm>> -> memref<1024x128xf32, #tpu.memory_space<hbm>>
    tpu.enqueue_indirect_dma source(%dma_start3A_33 : memref<1024x128xf32, #tpu.memory_space<hbm>>) target(%dma_start3A_28 : memref<128x128xf32, #tpu.memory_space<vmem>>) offsets(%dma_start3A_30 : memref<128xi32, #tpu.memory_space<vmem>>) semaphore(%arg7 : memref<!tpu.dma_semaphore, #tpu.memory_space<semaphore_mem>>)
    %dma_start3A_34 = arith.constant 3 : i32
    %dma_start3A_35 = arith.constant 0 : i32
    %dma_start3A_36 = arith.constant 0 : i32
    %dma_start3A_37 = tpu.memref_slice %arg6[%dma_start3A_34, %dma_start3A_35, %dma_start3A_36] : memref<7x128x128xf32, #tpu.memory_space<vmem>> -> memref<1x128x128xf32, #tpu.memory_space<vmem>>
    %dma_start3A_38 = tpu.memref_squeeze %dma_start3A_37 : memref<1x128x128xf32, #tpu.memory_space<vmem>> -> memref<128x128xf32, #tpu.memory_space<vmem>>
    %dma_start3A_39 = arith.constant 384 : i32
    %dma_start3A_40 = tpu.memref_slice %arg5[%dma_start3A_39] : memref<1152xi32, #tpu.memory_space<vmem>> -> memref<128xi32, #tpu.memory_space<vmem>>
    %dma_start3A_41 = arith.constant 0 : i32
    %dma_start3A_42 = arith.constant 0 : i32
    %dma_start3A_43 = tpu.memref_slice %arg2[%dma_start3A_41, %dma_start3A_42] : memref<1024x128xf32, #tpu.memory_space<hbm>> -> memref<1024x128xf32, #tpu.memory_space<hbm>>
    tpu.enqueue_indirect_dma source(%dma_start3A_43 : memref<1024x128xf32, #tpu.memory_space<hbm>>) target(%dma_start3A_38 : memref<128x128xf32, #tpu.memory_space<vmem>>) offsets(%dma_start3A_40 : memref<128xi32, #tpu.memory_space<vmem>>) semaphore(%arg7 : memref<!tpu.dma_semaphore, #tpu.memory_space<semaphore_mem>>)
    %dma_start3A_44 = arith.constant 4 : i32
    %dma_start3A_45 = arith.constant 0 : i32
    %dma_start3A_46 = arith.constant 0 : i32
    %dma_start3A_47 = tpu.memref_slice %arg6[%dma_start3A_44, %dma_start3A_45, %dma_start3A_46] : memref<7x128x128xf32, #tpu.memory_space<vmem>> -> memref<1x128x128xf32, #tpu.memory_space<vmem>>
    %dma_start3A_48 = tpu.memref_squeeze %dma_start3A_47 : memref<1x128x128xf32, #tpu.memory_space<vmem>> -> memref<128x128xf32, #tpu.memory_space<vmem>>
    %dma_start3A_49 = arith.constant 512 : i32
    %dma_start3A_50 = tpu.memref_slice %arg5[%dma_start3A_49] : memref<1152xi32, #tpu.memory_space<vmem>> -> memref<128xi32, #tpu.memory_space<vmem>>
    %dma_start3A_51 = arith.constant 0 : i32
    %dma_start3A_52 = arith.constant 0 : i32
    %dma_start3A_53 = tpu.memref_slice %arg2[%dma_start3A_51, %dma_start3A_52] : memref<1024x128xf32, #tpu.memory_space<hbm>> -> memref<1024x128xf32, #tpu.memory_space<hbm>>
    tpu.enqueue_indirect_dma source(%dma_start3A_53 : memref<1024x128xf32, #tpu.memory_space<hbm>>) target(%dma_start3A_48 : memref<128x128xf32, #tpu.memory_space<vmem>>) offsets(%dma_start3A_50 : memref<128xi32, #tpu.memory_space<vmem>>) semaphore(%arg7 : memref<!tpu.dma_semaphore, #tpu.memory_space<semaphore_mem>>)
    %dma_start3A_54 = arith.constant 5 : i32
    %dma_start3A_55 = arith.constant 0 : i32
    %dma_start3A_56 = arith.constant 0 : i32
    %dma_start3A_57 = tpu.memref_slice %arg6[%dma_start3A_54, %dma_start3A_55, %dma_start3A_56] : memref<7x128x128xf32, #tpu.memory_space<vmem>> -> memref<1x128x128xf32, #tpu.memory_space<vmem>>
    %dma_start3A_58 = tpu.memref_squeeze %dma_start3A_57 : memref<1x128x128xf32, #tpu.memory_space<vmem>> -> memref<128x128xf32, #tpu.memory_space<vmem>>
    %dma_start3A_59 = arith.constant 640 : i32
    %dma_start3A_60 = tpu.memref_slice %arg5[%dma_start3A_59] : memref<1152xi32, #tpu.memory_space<vmem>> -> memref<128xi32, #tpu.memory_space<vmem>>
    %dma_start3A_61 = arith.constant 0 : i32
    %dma_start3A_62 = arith.constant 0 : i32
    %dma_start3A_63 = tpu.memref_slice %arg2[%dma_start3A_61, %dma_start3A_62] : memref<1024x128xf32, #tpu.memory_space<hbm>> -> memref<1024x128xf32, #tpu.memory_space<hbm>>
    tpu.enqueue_indirect_dma source(%dma_start3A_63 : memref<1024x128xf32, #tpu.memory_space<hbm>>) target(%dma_start3A_58 : memref<128x128xf32, #tpu.memory_space<vmem>>) offsets(%dma_start3A_60 : memref<128xi32, #tpu.memory_space<vmem>>) semaphore(%arg7 : memref<!tpu.dma_semaphore, #tpu.memory_space<semaphore_mem>>)
    %dma_start3A_64 = arith.constant 6 : i32
    %dma_start3A_65 = arith.constant 0 : i32
    %dma_start3A_66 = arith.constant 0 : i32
    %dma_start3A_67 = tpu.memref_slice %arg6[%dma_start3A_64, %dma_start3A_65, %dma_start3A_66] : memref<7x128x128xf32, #tpu.memory_space<vmem>> -> memref<1x128x128xf32, #tpu.memory_space<vmem>>
    %dma_start3A_68 = tpu.memref_squeeze %dma_start3A_67 : memref<1x128x128xf32, #tpu.memory_space<vmem>> -> memref<128x128xf32, #tpu.memory_space<vmem>>
    %dma_start3A_69 = arith.constant 768 : i32
    %dma_start3A_70 = tpu.memref_slice %arg5[%dma_start3A_69] : memref<1152xi32, #tpu.memory_space<vmem>> -> memref<128xi32, #tpu.memory_space<vmem>>
    %dma_start3A_71 = arith.constant 0 : i32
    %dma_start3A_72 = arith.constant 0 : i32
    %dma_start3A_73 = tpu.memref_slice %arg2[%dma_start3A_71, %dma_start3A_72] : memref<1024x128xf32, #tpu.memory_space<hbm>> -> memref<1024x128xf32, #tpu.memory_space<hbm>>
    tpu.enqueue_indirect_dma source(%dma_start3A_73 : memref<1024x128xf32, #tpu.memory_space<hbm>>) target(%dma_start3A_68 : memref<128x128xf32, #tpu.memory_space<vmem>>) offsets(%dma_start3A_70 : memref<128xi32, #tpu.memory_space<vmem>>) semaphore(%arg7 : memref<!tpu.dma_semaphore, #tpu.memory_space<semaphore_mem>>)
    %dma_wait3A = arith.constant 0 : i32
    %dma_wait3A_74 = arith.constant 0 : i32
    %dma_wait3A_75 = arith.constant 0 : i32
    %dma_wait3A_76 = tpu.memref_slice %arg6[%dma_wait3A, %dma_wait3A_74, %dma_wait3A_75] : memref<7x128x128xf32, #tpu.memory_space<vmem>> -> memref<1x128x128xf32, #tpu.memory_space<vmem>>
    %dma_wait3A_77 = tpu.memref_squeeze %dma_wait3A_76 : memref<1x128x128xf32, #tpu.memory_space<vmem>> -> memref<128x128xf32, #tpu.memory_space<vmem>>
    %dma_wait3A_78 = arith.constant 0 : i32
    %dma_wait3A_79 = tpu.memref_slice %arg5[%dma_wait3A_78] : memref<1152xi32, #tpu.memory_space<vmem>> -> memref<128xi32, #tpu.memory_space<vmem>>
    %dma_wait3A_80 = arith.constant 0 : i32
    %dma_wait3A_81 = arith.constant 0 : i32
    %dma_wait3A_82 = tpu.memref_slice %arg2[%dma_wait3A_80, %dma_wait3A_81] : memref<1024x128xf32, #tpu.memory_space<hbm>> -> memref<1024x128xf32, #tpu.memory_space<hbm>>
    tpu.wait_indirect_dma semaphore(%arg7 : memref<!tpu.dma_semaphore, #tpu.memory_space<semaphore_mem>>) src(%dma_wait3A_82 : memref<1024x128xf32, #tpu.memory_space<hbm>>) dst(%dma_wait3A_77 : memref<128x128xf32, #tpu.memory_space<vmem>>)
    %add3A_83 = arith.constant 0 : i32
    %add3A_84 = arith.addi %mul3A_2, %add3A_83 : i32
    %run_scoped3A = arith.constant 0 : i32
    "tpu.region"() ({
      %run_scoped3A_440 = tpu.sem_alloc : memref<!tpu.dma_semaphore, #tpu.memory_space<semaphore_mem>>
      %dma_start3A_441 = arith.constant 0 : i32
      %dma_start3A_442 = arith.constant 0 : i32
      %dma_start3A_443 = tpu.memref_slice %arg6[%run_scoped3A, %dma_start3A_441, %dma_start3A_442] : memref<7x128x128xf32, #tpu.memory_space<vmem>> -> memref<1x128x128xf32, #tpu.memory_space<vmem>>
      %dma_start3A_444 = tpu.memref_squeeze %dma_start3A_443 : memref<1x128x128xf32, #tpu.memory_space<vmem>> -> memref<128x128xf32, #tpu.memory_space<vmem>>
      %dma_start3A_445 = arith.constant 0 : i32
      %dma_start3A_446 = arith.constant 0 : i32
      %dma_start3A_447 = tpu.memref_slice %arg4[%add3A_84, %dma_start3A_445, %dma_start3A_446] : memref<288x128x128xf32, #tpu.memory_space<hbm>> -> memref<1x128x128xf32, #tpu.memory_space<hbm>>
      %dma_start3A_448 = tpu.memref_squeeze %dma_start3A_447 : memref<1x128x128xf32, #tpu.memory_space<hbm>> -> memref<128x128xf32, #tpu.memory_space<hbm>>
      %dma_start3A_449 = arith.constant 0 : i32
      %dma_start3A_450 = arith.constant 0 : i32
      %dma_start3A_451 = tpu.memref_slice %arg4[%add3A_84, %dma_start3A_449, %dma_start3A_450] : memref<288x128x128xf32, #tpu.memory_space<hbm>> -> memref<1x128x128xf32, #tpu.memory_space<hbm>>
      %dma_start3A_452 = tpu.memref_squeeze %dma_start3A_451 : memref<1x128x128xf32, #tpu.memory_space<hbm>> -> memref<128x128xf32, #tpu.memory_space<hbm>>
      %dma_start3A_453 = arith.constant 0 : i32
      %dma_start3A_454 = arith.constant 0 : i32
      %dma_start3A_455 = tpu.memref_slice %arg6[%run_scoped3A, %dma_start3A_453, %dma_start3A_454] : memref<7x128x128xf32, #tpu.memory_space<vmem>> -> memref<1x128x128xf32, #tpu.memory_space<vmem>>
      %dma_start3A_456 = tpu.memref_squeeze %dma_start3A_455 : memref<1x128x128xf32, #tpu.memory_space<vmem>> -> memref<128x128xf32, #tpu.memory_space<vmem>>
      tpu.enqueue_dma source(%dma_start3A_456 : memref<128x128xf32, #tpu.memory_space<vmem>>) target(%dma_start3A_452 : memref<128x128xf32, #tpu.memory_space<hbm>>) target_semaphore(%run_scoped3A_440 : memref<!tpu.dma_semaphore, #tpu.memory_space<semaphore_mem>>)
      %dma_wait3A_457 = arith.constant 0 : i32
      %dma_wait3A_458 = arith.constant 0 : i32
      %dma_wait3A_459 = tpu.memref_slice %arg6[%run_scoped3A, %dma_wait3A_457, %dma_wait3A_458] : memref<7x128x128xf32, #tpu.memory_space<vmem>> -> memref<1x128x128xf32, #tpu.memory_space<vmem>>
      %dma_wait3A_460 = tpu.memref_squeeze %dma_wait3A_459 : memref<1x128x128xf32, #tpu.memory_space<vmem>> -> memref<128x128xf32, #tpu.memory_space<vmem>>
      %dma_wait3A_461 = arith.constant 0 : i32
      %dma_wait3A_462 = arith.constant 0 : i32
      %dma_wait3A_463 = tpu.memref_slice %arg4[%add3A_84, %dma_wait3A_461, %dma_wait3A_462] : memref<288x128x128xf32, #tpu.memory_space<hbm>> -> memref<1x128x128xf32, #tpu.memory_space<hbm>>
      %dma_wait3A_464 = tpu.memref_squeeze %dma_wait3A_463 : memref<1x128x128xf32, #tpu.memory_space<hbm>> -> memref<128x128xf32, #tpu.memory_space<hbm>>
      %dma_wait3A_465 = arith.constant 0 : i32
      %dma_wait3A_466 = arith.constant 0 : i32
      %dma_wait3A_467 = tpu.memref_slice %arg4[%add3A_84, %dma_wait3A_465, %dma_wait3A_466] : memref<288x128x128xf32, #tpu.memory_space<hbm>> -> memref<1x128x128xf32, #tpu.memory_space<hbm>>
      %dma_wait3A_468 = tpu.memref_squeeze %dma_wait3A_467 : memref<1x128x128xf32, #tpu.memory_space<hbm>> -> memref<128x128xf32, #tpu.memory_space<hbm>>
      %dma_wait3A_469 = arith.constant 0 : i32
      %dma_wait3A_470 = arith.constant 0 : i32
      %dma_wait3A_471 = tpu.memref_slice %arg6[%run_scoped3A, %dma_wait3A_469, %dma_wait3A_470] : memref<7x128x128xf32, #tpu.memory_space<vmem>> -> memref<1x128x128xf32, #tpu.memory_space<vmem>>
      %dma_wait3A_472 = tpu.memref_squeeze %dma_wait3A_471 : memref<1x128x128xf32, #tpu.memory_space<vmem>> -> memref<128x128xf32, #tpu.memory_space<vmem>>
      tpu.wait_dma2 semaphore(%run_scoped3A_440 : memref<!tpu.dma_semaphore, #tpu.memory_space<semaphore_mem>>) src(%dma_wait3A_472 : memref<128x128xf32, #tpu.memory_space<vmem>>) dst(%dma_wait3A_468 : memref<128x128xf32, #tpu.memory_space<hbm>>)
      tpu.yield
    }) : () -> ()
    %dma_start3A_85 = arith.constant 0 : i32
    %dma_start3A_86 = arith.constant 0 : i32
    %dma_start3A_87 = arith.constant 0 : i32
    %dma_start3A_88 = tpu.memref_slice %arg6[%dma_start3A_85, %dma_start3A_86, %dma_start3A_87] : memref<7x128x128xf32, #tpu.memory_space<vmem>> -> memref<1x128x128xf32, #tpu.memory_space<vmem>>
    %dma_start3A_89 = tpu.memref_squeeze %dma_start3A_88 : memref<1x128x128xf32, #tpu.memory_space<vmem>> -> memref<128x128xf32, #tpu.memory_space<vmem>>
    %dma_start3A_90 = arith.constant 896 : i32
    %dma_start3A_91 = tpu.memref_slice %arg5[%dma_start3A_90] : memref<1152xi32, #tpu.memory_space<vmem>> -> memref<128xi32, #tpu.memory_space<vmem>>
    %dma_start3A_92 = arith.constant 0 : i32
    %dma_start3A_93 = arith.constant 0 : i32
    %dma_start3A_94 = tpu.memref_slice %arg2[%dma_start3A_92, %dma_start3A_93] : memref<1024x128xf32, #tpu.memory_space<hbm>> -> memref<1024x128xf32, #tpu.memory_space<hbm>>
    tpu.enqueue_indirect_dma source(%dma_start3A_94 : memref<1024x128xf32, #tpu.memory_space<hbm>>) target(%dma_start3A_89 : memref<128x128xf32, #tpu.memory_space<vmem>>) offsets(%dma_start3A_91 : memref<128xi32, #tpu.memory_space<vmem>>) semaphore(%arg7 : memref<!tpu.dma_semaphore, #tpu.memory_space<semaphore_mem>>)
    %dma_wait3A_95 = arith.constant 1 : i32
    %dma_wait3A_96 = arith.constant 0 : i32
    %dma_wait3A_97 = arith.constant 0 : i32
    %dma_wait3A_98 = tpu.memref_slice %arg6[%dma_wait3A_95, %dma_wait3A_96, %dma_wait3A_97] : memref<7x128x128xf32, #tpu.memory_space<vmem>> -> memref<1x128x128xf32, #tpu.memory_space<vmem>>
    %dma_wait3A_99 = tpu.memref_squeeze %dma_wait3A_98 : memref<1x128x128xf32, #tpu.memory_space<vmem>> -> memref<128x128xf32, #tpu.memory_space<vmem>>
    %dma_wait3A_100 = arith.constant 128 : i32
    %dma_wait3A_101 = tpu.memref_slice %arg5[%dma_wait3A_100] : memref<1152xi32, #tpu.memory_space<vmem>> -> memref<128xi32, #tpu.memory_space<vmem>>
    %dma_wait3A_102 = arith.constant 0 : i32
    %dma_wait3A_103 = arith.constant 0 : i32
    %dma_wait3A_104 = tpu.memref_slice %arg2[%dma_wait3A_102, %dma_wait3A_103] : memref<1024x128xf32, #tpu.memory_space<hbm>> -> memref<1024x128xf32, #tpu.memory_space<hbm>>
    tpu.wait_indirect_dma semaphore(%arg7 : memref<!tpu.dma_semaphore, #tpu.memory_space<semaphore_mem>>) src(%dma_wait3A_104 : memref<1024x128xf32, #tpu.memory_space<hbm>>) dst(%dma_wait3A_99 : memref<128x128xf32, #tpu.memory_space<vmem>>)
    %add3A_105 = arith.constant 1 : i32
    %add3A_106 = arith.addi %mul3A_2, %add3A_105 : i32
    %run_scoped3A_107 = arith.constant 1 : i32
    "tpu.region"() ({
      %run_scoped3A_440 = tpu.sem_alloc : memref<!tpu.dma_semaphore, #tpu.memory_space<semaphore_mem>>
      %dma_start3A_441 = arith.constant 0 : i32
      %dma_start3A_442 = arith.constant 0 : i32
      %dma_start3A_443 = tpu.memref_slice %arg6[%run_scoped3A_107, %dma_start3A_441, %dma_start3A_442] : memref<7x128x128xf32, #tpu.memory_space<vmem>> -> memref<1x128x128xf32, #tpu.memory_space<vmem>>
      %dma_start3A_444 = tpu.memref_squeeze %dma_start3A_443 : memref<1x128x128xf32, #tpu.memory_space<vmem>> -> memref<128x128xf32, #tpu.memory_space<vmem>>
      %dma_start3A_445 = arith.constant 0 : i32
      %dma_start3A_446 = arith.constant 0 : i32
      %dma_start3A_447 = tpu.memref_slice %arg4[%add3A_106, %dma_start3A_445, %dma_start3A_446] : memref<288x128x128xf32, #tpu.memory_space<hbm>> -> memref<1x128x128xf32, #tpu.memory_space<hbm>>
      %dma_start3A_448 = tpu.memref_squeeze %dma_start3A_447 : memref<1x128x128xf32, #tpu.memory_space<hbm>> -> memref<128x128xf32, #tpu.memory_space<hbm>>
      %dma_start3A_449 = arith.constant 0 : i32
      %dma_start3A_450 = arith.constant 0 : i32
      %dma_start3A_451 = tpu.memref_slice %arg4[%add3A_106, %dma_start3A_449, %dma_start3A_450] : memref<288x128x128xf32, #tpu.memory_space<hbm>> -> memref<1x128x128xf32, #tpu.memory_space<hbm>>
      %dma_start3A_452 = tpu.memref_squeeze %dma_start3A_451 : memref<1x128x128xf32, #tpu.memory_space<hbm>> -> memref<128x128xf32, #tpu.memory_space<hbm>>
      %dma_start3A_453 = arith.constant 0 : i32
      %dma_start3A_454 = arith.constant 0 : i32
      %dma_start3A_455 = tpu.memref_slice %arg6[%run_scoped3A_107, %dma_start3A_453, %dma_start3A_454] : memref<7x128x128xf32, #tpu.memory_space<vmem>> -> memref<1x128x128xf32, #tpu.memory_space<vmem>>
      %dma_start3A_456 = tpu.memref_squeeze %dma_start3A_455 : memref<1x128x128xf32, #tpu.memory_space<vmem>> -> memref<128x128xf32, #tpu.memory_space<vmem>>
      tpu.enqueue_dma source(%dma_start3A_456 : memref<128x128xf32, #tpu.memory_space<vmem>>) target(%dma_start3A_452 : memref<128x128xf32, #tpu.memory_space<hbm>>) target_semaphore(%run_scoped3A_440 : memref<!tpu.dma_semaphore, #tpu.memory_space<semaphore_mem>>)
      %dma_wait3A_457 = arith.constant 0 : i32
      %dma_wait3A_458 = arith.constant 0 : i32
      %dma_wait3A_459 = tpu.memref_slice %arg6[%run_scoped3A_107, %dma_wait3A_457, %dma_wait3A_458] : memref<7x128x128xf32, #tpu.memory_space<vmem>> -> memref<1x128x128xf32, #tpu.memory_space<vmem>>
      %dma_wait3A_460 = tpu.memref_squeeze %dma_wait3A_459 : memref<1x128x128xf32, #tpu.memory_space<vmem>> -> memref<128x128xf32, #tpu.memory_space<vmem>>
      %dma_wait3A_461 = arith.constant 0 : i32
      %dma_wait3A_462 = arith.constant 0 : i32
      %dma_wait3A_463 = tpu.memref_slice %arg4[%add3A_106, %dma_wait3A_461, %dma_wait3A_462] : memref<288x128x128xf32, #tpu.memory_space<hbm>> -> memref<1x128x128xf32, #tpu.memory_space<hbm>>
      %dma_wait3A_464 = tpu.memref_squeeze %dma_wait3A_463 : memref<1x128x128xf32, #tpu.memory_space<hbm>> -> memref<128x128xf32, #tpu.memory_space<hbm>>
      %dma_wait3A_465 = arith.constant 0 : i32
      %dma_wait3A_466 = arith.constant 0 : i32
      %dma_wait3A_467 = tpu.memref_slice %arg4[%add3A_106, %dma_wait3A_465, %dma_wait3A_466] : memref<288x128x128xf32, #tpu.memory_space<hbm>> -> memref<1x128x128xf32, #tpu.memory_space<hbm>>
      %dma_wait3A_468 = tpu.memref_squeeze %dma_wait3A_467 : memref<1x128x128xf32, #tpu.memory_space<hbm>> -> memref<128x128xf32, #tpu.memory_space<hbm>>
      %dma_wait3A_469 = arith.constant 0 : i32
      %dma_wait3A_470 = arith.constant 0 : i32
      %dma_wait3A_471 = tpu.memref_slice %arg6[%run_scoped3A_107, %dma_wait3A_469, %dma_wait3A_470] : memref<7x128x128xf32, #tpu.memory_space<vmem>> -> memref<1x128x128xf32, #tpu.memory_space<vmem>>
      %dma_wait3A_472 = tpu.memref_squeeze %dma_wait3A_471 : memref<1x128x128xf32, #tpu.memory_space<vmem>> -> memref<128x128xf32, #tpu.memory_space<vmem>>
      tpu.wait_dma2 semaphore(%run_scoped3A_440 : memref<!tpu.dma_semaphore, #tpu.memory_space<semaphore_mem>>) src(%dma_wait3A_472 : memref<128x128xf32, #tpu.memory_space<vmem>>) dst(%dma_wait3A_468 : memref<128x128xf32, #tpu.memory_space<hbm>>)
      tpu.yield
    }) : () -> ()
    %dma_start3A_108 = arith.constant 1 : i32
    %dma_start3A_109 = arith.constant 0 : i32
    %dma_start3A_110 = arith.constant 0 : i32
    %dma_start3A_111 = tpu.memref_slice %arg6[%dma_start3A_108, %dma_start3A_109, %dma_start3A_110] : memref<7x128x128xf32, #tpu.memory_space<vmem>> -> memref<1x128x128xf32, #tpu.memory_space<vmem>>
    %dma_start3A_112 = tpu.memref_squeeze %dma_start3A_111 : memref<1x128x128xf32, #tpu.memory_space<vmem>> -> memref<128x128xf32, #tpu.memory_space<vmem>>
    %dma_start3A_113 = arith.constant 1024 : i32
    %dma_start3A_114 = tpu.memref_slice %arg5[%dma_start3A_113] : memref<1152xi32, #tpu.memory_space<vmem>> -> memref<128xi32, #tpu.memory_space<vmem>>
    %dma_start3A_115 = arith.constant 0 : i32
    %dma_start3A_116 = arith.constant 0 : i32
    %dma_start3A_117 = tpu.memref_slice %arg2[%dma_start3A_115, %dma_start3A_116] : memref<1024x128xf32, #tpu.memory_space<hbm>> -> memref<1024x128xf32, #tpu.memory_space<hbm>>
    tpu.enqueue_indirect_dma source(%dma_start3A_117 : memref<1024x128xf32, #tpu.memory_space<hbm>>) target(%dma_start3A_112 : memref<128x128xf32, #tpu.memory_space<vmem>>) offsets(%dma_start3A_114 : memref<128xi32, #tpu.memory_space<vmem>>) semaphore(%arg7 : memref<!tpu.dma_semaphore, #tpu.memory_space<semaphore_mem>>)
    %dma_wait3A_118 = arith.constant 2 : i32
    %dma_wait3A_119 = arith.constant 0 : i32
    %dma_wait3A_120 = arith.constant 0 : i32
    %dma_wait3A_121 = tpu.memref_slice %arg6[%dma_wait3A_118, %dma_wait3A_119, %dma_wait3A_120] : memref<7x128x128xf32, #tpu.memory_space<vmem>> -> memref<1x128x128xf32, #tpu.memory_space<vmem>>
    %dma_wait3A_122 = tpu.memref_squeeze %dma_wait3A_121 : memref<1x128x128xf32, #tpu.memory_space<vmem>> -> memref<128x128xf32, #tpu.memory_space<vmem>>
    %dma_wait3A_123 = arith.constant 256 : i32
    %dma_wait3A_124 = tpu.memref_slice %arg5[%dma_wait3A_123] : memref<1152xi32, #tpu.memory_space<vmem>> -> memref<128xi32, #tpu.memory_space<vmem>>
    %dma_wait3A_125 = arith.constant 0 : i32
    %dma_wait3A_126 = arith.constant 0 : i32
    %dma_wait3A_127 = tpu.memref_slice %arg2[%dma_wait3A_125, %dma_wait3A_126] : memref<1024x128xf32, #tpu.memory_space<hbm>> -> memref<1024x128xf32, #tpu.memory_space<hbm>>
    tpu.wait_indirect_dma semaphore(%arg7 : memref<!tpu.dma_semaphore, #tpu.memory_space<semaphore_mem>>) src(%dma_wait3A_127 : memref<1024x128xf32, #tpu.memory_space<hbm>>) dst(%dma_wait3A_122 : memref<128x128xf32, #tpu.memory_space<vmem>>)
    %add3A_128 = arith.constant 2 : i32
    %add3A_129 = arith.addi %mul3A_2, %add3A_128 : i32
    %dma_start3A_130 = arith.constant 2 : i32
    %dma_start3A_131 = arith.constant 0 : i32
    %dma_start3A_132 = arith.constant 0 : i32
    %dma_start3A_133 = tpu.memref_slice %arg6[%dma_start3A_130, %dma_start3A_131, %dma_start3A_132] : memref<7x128x128xf32, #tpu.memory_space<vmem>> -> memref<1x128x128xf32, #tpu.memory_space<vmem>>
    %dma_start3A_134 = tpu.memref_squeeze %dma_start3A_133 : memref<1x128x128xf32, #tpu.memory_space<vmem>> -> memref<128x128xf32, #tpu.memory_space<vmem>>
    %dma_start3A_135 = arith.constant 0 : i32
    %dma_start3A_136 = arith.constant 0 : i32
    %dma_start3A_137 = tpu.memref_slice %arg4[%add3A_129, %dma_start3A_135, %dma_start3A_136] : memref<288x128x128xf32, #tpu.memory_space<hbm>> -> memref<1x128x128xf32, #tpu.memory_space<hbm>>
    %dma_start3A_138 = tpu.memref_squeeze %dma_start3A_137 : memref<1x128x128xf32, #tpu.memory_space<hbm>> -> memref<128x128xf32, #tpu.memory_space<hbm>>
    %dma_start3A_139 = arith.constant 0 : i32
    %dma_start3A_140 = arith.constant 0 : i32
    %dma_start3A_141 = tpu.memref_slice %arg4[%add3A_129, %dma_start3A_139, %dma_start3A_140] : memref<288x128x128xf32, #tpu.memory_space<hbm>> -> memref<1x128x128xf32, #tpu.memory_space<hbm>>
    %dma_start3A_142 = tpu.memref_squeeze %dma_start3A_141 : memref<1x128x128xf32, #tpu.memory_space<hbm>> -> memref<128x128xf32, #tpu.memory_space<hbm>>
    %dma_start3A_143 = arith.constant 0 : i32
    %dma_start3A_144 = arith.constant 0 : i32
    %dma_start3A_145 = tpu.memref_slice %arg6[%dma_start3A_130, %dma_start3A_143, %dma_start3A_144] : memref<7x128x128xf32, #tpu.memory_space<vmem>> -> memref<1x128x128xf32, #tpu.memory_space<vmem>>
    %dma_start3A_146 = tpu.memref_squeeze %dma_start3A_145 : memref<1x128x128xf32, #tpu.memory_space<vmem>> -> memref<128x128xf32, #tpu.memory_space<vmem>>
    tpu.enqueue_dma source(%dma_start3A_146 : memref<128x128xf32, #tpu.memory_space<vmem>>) target(%dma_start3A_142 : memref<128x128xf32, #tpu.memory_space<hbm>>) target_semaphore(%arg8 : memref<!tpu.dma_semaphore, #tpu.memory_space<semaphore_mem>>)
    %dma_wait3A_147 = arith.constant 3 : i32
    %dma_wait3A_148 = arith.constant 0 : i32
    %dma_wait3A_149 = arith.constant 0 : i32
    %dma_wait3A_150 = tpu.memref_slice %arg6[%dma_wait3A_147, %dma_wait3A_148, %dma_wait3A_149] : memref<7x128x128xf32, #tpu.memory_space<vmem>> -> memref<1x128x128xf32, #tpu.memory_space<vmem>>
    %dma_wait3A_151 = tpu.memref_squeeze %dma_wait3A_150 : memref<1x128x128xf32, #tpu.memory_space<vmem>> -> memref<128x128xf32, #tpu.memory_space<vmem>>
    %dma_wait3A_152 = arith.constant 384 : i32
    %dma_wait3A_153 = tpu.memref_slice %arg5[%dma_wait3A_152] : memref<1152xi32, #tpu.memory_space<vmem>> -> memref<128xi32, #tpu.memory_space<vmem>>
    %dma_wait3A_154 = arith.constant 0 : i32
    %dma_wait3A_155 = arith.constant 0 : i32
    %dma_wait3A_156 = tpu.memref_slice %arg2[%dma_wait3A_154, %dma_wait3A_155] : memref<1024x128xf32, #tpu.memory_space<hbm>> -> memref<1024x128xf32, #tpu.memory_space<hbm>>
    tpu.wait_indirect_dma semaphore(%arg7 : memref<!tpu.dma_semaphore, #tpu.memory_space<semaphore_mem>>) src(%dma_wait3A_156 : memref<1024x128xf32, #tpu.memory_space<hbm>>) dst(%dma_wait3A_151 : memref<128x128xf32, #tpu.memory_space<vmem>>)
    %add3A_157 = arith.constant 3 : i32
    %add3A_158 = arith.addi %mul3A_2, %add3A_157 : i32
    %dma_start3A_159 = arith.constant 3 : i32
    %dma_start3A_160 = arith.constant 0 : i32
    %dma_start3A_161 = arith.constant 0 : i32
    %dma_start3A_162 = tpu.memref_slice %arg6[%dma_start3A_159, %dma_start3A_160, %dma_start3A_161] : memref<7x128x128xf32, #tpu.memory_space<vmem>> -> memref<1x128x128xf32, #tpu.memory_space<vmem>>
    %dma_start3A_163 = tpu.memref_squeeze %dma_start3A_162 : memref<1x128x128xf32, #tpu.memory_space<vmem>> -> memref<128x128xf32, #tpu.memory_space<vmem>>
    %dma_start3A_164 = arith.constant 0 : i32
    %dma_start3A_165 = arith.constant 0 : i32
    %dma_start3A_166 = tpu.memref_slice %arg4[%add3A_158, %dma_start3A_164, %dma_start3A_165] : memref<288x128x128xf32, #tpu.memory_space<hbm>> -> memref<1x128x128xf32, #tpu.memory_space<hbm>>
    %dma_start3A_167 = tpu.memref_squeeze %dma_start3A_166 : memref<1x128x128xf32, #tpu.memory_space<hbm>> -> memref<128x128xf32, #tpu.memory_space<hbm>>
    %dma_start3A_168 = arith.constant 0 : i32
    %dma_start3A_169 = arith.constant 0 : i32
    %dma_start3A_170 = tpu.memref_slice %arg4[%add3A_158, %dma_start3A_168, %dma_start3A_169] : memref<288x128x128xf32, #tpu.memory_space<hbm>> -> memref<1x128x128xf32, #tpu.memory_space<hbm>>
    %dma_start3A_171 = tpu.memref_squeeze %dma_start3A_170 : memref<1x128x128xf32, #tpu.memory_space<hbm>> -> memref<128x128xf32, #tpu.memory_space<hbm>>
    %dma_start3A_172 = arith.constant 0 : i32
    %dma_start3A_173 = arith.constant 0 : i32
    %dma_start3A_174 = tpu.memref_slice %arg6[%dma_start3A_159, %dma_start3A_172, %dma_start3A_173] : memref<7x128x128xf32, #tpu.memory_space<vmem>> -> memref<1x128x128xf32, #tpu.memory_space<vmem>>
    %dma_start3A_175 = tpu.memref_squeeze %dma_start3A_174 : memref<1x128x128xf32, #tpu.memory_space<vmem>> -> memref<128x128xf32, #tpu.memory_space<vmem>>
    tpu.enqueue_dma source(%dma_start3A_175 : memref<128x128xf32, #tpu.memory_space<vmem>>) target(%dma_start3A_171 : memref<128x128xf32, #tpu.memory_space<hbm>>) target_semaphore(%arg8 : memref<!tpu.dma_semaphore, #tpu.memory_space<semaphore_mem>>)
    %dma_wait3A_176 = arith.constant 4 : i32
    %dma_wait3A_177 = arith.constant 0 : i32
    %dma_wait3A_178 = arith.constant 0 : i32
    %dma_wait3A_179 = tpu.memref_slice %arg6[%dma_wait3A_176, %dma_wait3A_177, %dma_wait3A_178] : memref<7x128x128xf32, #tpu.memory_space<vmem>> -> memref<1x128x128xf32, #tpu.memory_space<vmem>>
    %dma_wait3A_180 = tpu.memref_squeeze %dma_wait3A_179 : memref<1x128x128xf32, #tpu.memory_space<vmem>> -> memref<128x128xf32, #tpu.memory_space<vmem>>
    %dma_wait3A_181 = arith.constant 512 : i32
    %dma_wait3A_182 = tpu.memref_slice %arg5[%dma_wait3A_181] : memref<1152xi32, #tpu.memory_space<vmem>> -> memref<128xi32, #tpu.memory_space<vmem>>
    %dma_wait3A_183 = arith.constant 0 : i32
    %dma_wait3A_184 = arith.constant 0 : i32
    %dma_wait3A_185 = tpu.memref_slice %arg2[%dma_wait3A_183, %dma_wait3A_184] : memref<1024x128xf32, #tpu.memory_space<hbm>> -> memref<1024x128xf32, #tpu.memory_space<hbm>>
    tpu.wait_indirect_dma semaphore(%arg7 : memref<!tpu.dma_semaphore, #tpu.memory_space<semaphore_mem>>) src(%dma_wait3A_185 : memref<1024x128xf32, #tpu.memory_space<hbm>>) dst(%dma_wait3A_180 : memref<128x128xf32, #tpu.memory_space<vmem>>)
    %add3A_186 = arith.constant 4 : i32
    %add3A_187 = arith.addi %mul3A_2, %add3A_186 : i32
    %dma_start3A_188 = arith.constant 4 : i32
    %dma_start3A_189 = arith.constant 0 : i32
    %dma_start3A_190 = arith.constant 0 : i32
    %dma_start3A_191 = tpu.memref_slice %arg6[%dma_start3A_188, %dma_start3A_189, %dma_start3A_190] : memref<7x128x128xf32, #tpu.memory_space<vmem>> -> memref<1x128x128xf32, #tpu.memory_space<vmem>>
    %dma_start3A_192 = tpu.memref_squeeze %dma_start3A_191 : memref<1x128x128xf32, #tpu.memory_space<vmem>> -> memref<128x128xf32, #tpu.memory_space<vmem>>
    %dma_start3A_193 = arith.constant 0 : i32
    %dma_start3A_194 = arith.constant 0 : i32
    %dma_start3A_195 = tpu.memref_slice %arg4[%add3A_187, %dma_start3A_193, %dma_start3A_194] : memref<288x128x128xf32, #tpu.memory_space<hbm>> -> memref<1x128x128xf32, #tpu.memory_space<hbm>>
    %dma_start3A_196 = tpu.memref_squeeze %dma_start3A_195 : memref<1x128x128xf32, #tpu.memory_space<hbm>> -> memref<128x128xf32, #tpu.memory_space<hbm>>
    %dma_start3A_197 = arith.constant 0 : i32
    %dma_start3A_198 = arith.constant 0 : i32
    %dma_start3A_199 = tpu.memref_slice %arg4[%add3A_187, %dma_start3A_197, %dma_start3A_198] : memref<288x128x128xf32, #tpu.memory_space<hbm>> -> memref<1x128x128xf32, #tpu.memory_space<hbm>>
    %dma_start3A_200 = tpu.memref_squeeze %dma_start3A_199 : memref<1x128x128xf32, #tpu.memory_space<hbm>> -> memref<128x128xf32, #tpu.memory_space<hbm>>
    %dma_start3A_201 = arith.constant 0 : i32
    %dma_start3A_202 = arith.constant 0 : i32
    %dma_start3A_203 = tpu.memref_slice %arg6[%dma_start3A_188, %dma_start3A_201, %dma_start3A_202] : memref<7x128x128xf32, #tpu.memory_space<vmem>> -> memref<1x128x128xf32, #tpu.memory_space<vmem>>
    %dma_start3A_204 = tpu.memref_squeeze %dma_start3A_203 : memref<1x128x128xf32, #tpu.memory_space<vmem>> -> memref<128x128xf32, #tpu.memory_space<vmem>>
    tpu.enqueue_dma source(%dma_start3A_204 : memref<128x128xf32, #tpu.memory_space<vmem>>) target(%dma_start3A_200 : memref<128x128xf32, #tpu.memory_space<hbm>>) target_semaphore(%arg8 : memref<!tpu.dma_semaphore, #tpu.memory_space<semaphore_mem>>)
    %dma_wait3A_205 = arith.constant 5 : i32
    %dma_wait3A_206 = arith.constant 0 : i32
    %dma_wait3A_207 = arith.constant 0 : i32
    %dma_wait3A_208 = tpu.memref_slice %arg6[%dma_wait3A_205, %dma_wait3A_206, %dma_wait3A_207] : memref<7x128x128xf32, #tpu.memory_space<vmem>> -> memref<1x128x128xf32, #tpu.memory_space<vmem>>
    %dma_wait3A_209 = tpu.memref_squeeze %dma_wait3A_208 : memref<1x128x128xf32, #tpu.memory_space<vmem>> -> memref<128x128xf32, #tpu.memory_space<vmem>>
    %dma_wait3A_210 = arith.constant 640 : i32
    %dma_wait3A_211 = tpu.memref_slice %arg5[%dma_wait3A_210] : memref<1152xi32, #tpu.memory_space<vmem>> -> memref<128xi32, #tpu.memory_space<vmem>>
    %dma_wait3A_212 = arith.constant 0 : i32
    %dma_wait3A_213 = arith.constant 0 : i32
    %dma_wait3A_214 = tpu.memref_slice %arg2[%dma_wait3A_212, %dma_wait3A_213] : memref<1024x128xf32, #tpu.memory_space<hbm>> -> memref<1024x128xf32, #tpu.memory_space<hbm>>
    tpu.wait_indirect_dma semaphore(%arg7 : memref<!tpu.dma_semaphore, #tpu.memory_space<semaphore_mem>>) src(%dma_wait3A_214 : memref<1024x128xf32, #tpu.memory_space<hbm>>) dst(%dma_wait3A_209 : memref<128x128xf32, #tpu.memory_space<vmem>>)
    %add3A_215 = arith.constant 5 : i32
    %add3A_216 = arith.addi %mul3A_2, %add3A_215 : i32
    %dma_start3A_217 = arith.constant 5 : i32
    %dma_start3A_218 = arith.constant 0 : i32
    %dma_start3A_219 = arith.constant 0 : i32
    %dma_start3A_220 = tpu.memref_slice %arg6[%dma_start3A_217, %dma_start3A_218, %dma_start3A_219] : memref<7x128x128xf32, #tpu.memory_space<vmem>> -> memref<1x128x128xf32, #tpu.memory_space<vmem>>
    %dma_start3A_221 = tpu.memref_squeeze %dma_start3A_220 : memref<1x128x128xf32, #tpu.memory_space<vmem>> -> memref<128x128xf32, #tpu.memory_space<vmem>>
    %dma_start3A_222 = arith.constant 0 : i32
    %dma_start3A_223 = arith.constant 0 : i32
    %dma_start3A_224 = tpu.memref_slice %arg4[%add3A_216, %dma_start3A_222, %dma_start3A_223] : memref<288x128x128xf32, #tpu.memory_space<hbm>> -> memref<1x128x128xf32, #tpu.memory_space<hbm>>
    %dma_start3A_225 = tpu.memref_squeeze %dma_start3A_224 : memref<1x128x128xf32, #tpu.memory_space<hbm>> -> memref<128x128xf32, #tpu.memory_space<hbm>>
    %dma_start3A_226 = arith.constant 0 : i32
    %dma_start3A_227 = arith.constant 0 : i32
    %dma_start3A_228 = tpu.memref_slice %arg4[%add3A_216, %dma_start3A_226, %dma_start3A_227] : memref<288x128x128xf32, #tpu.memory_space<hbm>> -> memref<1x128x128xf32, #tpu.memory_space<hbm>>
    %dma_start3A_229 = tpu.memref_squeeze %dma_start3A_228 : memref<1x128x128xf32, #tpu.memory_space<hbm>> -> memref<128x128xf32, #tpu.memory_space<hbm>>
    %dma_start3A_230 = arith.constant 0 : i32
    %dma_start3A_231 = arith.constant 0 : i32
    %dma_start3A_232 = tpu.memref_slice %arg6[%dma_start3A_217, %dma_start3A_230, %dma_start3A_231] : memref<7x128x128xf32, #tpu.memory_space<vmem>> -> memref<1x128x128xf32, #tpu.memory_space<vmem>>
    %dma_start3A_233 = tpu.memref_squeeze %dma_start3A_232 : memref<1x128x128xf32, #tpu.memory_space<vmem>> -> memref<128x128xf32, #tpu.memory_space<vmem>>
    tpu.enqueue_dma source(%dma_start3A_233 : memref<128x128xf32, #tpu.memory_space<vmem>>) target(%dma_start3A_229 : memref<128x128xf32, #tpu.memory_space<hbm>>) target_semaphore(%arg8 : memref<!tpu.dma_semaphore, #tpu.memory_space<semaphore_mem>>)
    %dma_wait3A_234 = arith.constant 6 : i32
    %dma_wait3A_235 = arith.constant 0 : i32
    %dma_wait3A_236 = arith.constant 0 : i32
    %dma_wait3A_237 = tpu.memref_slice %arg6[%dma_wait3A_234, %dma_wait3A_235, %dma_wait3A_236] : memref<7x128x128xf32, #tpu.memory_space<vmem>> -> memref<1x128x128xf32, #tpu.memory_space<vmem>>
    %dma_wait3A_238 = tpu.memref_squeeze %dma_wait3A_237 : memref<1x128x128xf32, #tpu.memory_space<vmem>> -> memref<128x128xf32, #tpu.memory_space<vmem>>
    %dma_wait3A_239 = arith.constant 768 : i32
    %dma_wait3A_240 = tpu.memref_slice %arg5[%dma_wait3A_239] : memref<1152xi32, #tpu.memory_space<vmem>> -> memref<128xi32, #tpu.memory_space<vmem>>
    %dma_wait3A_241 = arith.constant 0 : i32
    %dma_wait3A_242 = arith.constant 0 : i32
    %dma_wait3A_243 = tpu.memref_slice %arg2[%dma_wait3A_241, %dma_wait3A_242] : memref<1024x128xf32, #tpu.memory_space<hbm>> -> memref<1024x128xf32, #tpu.memory_space<hbm>>
    tpu.wait_indirect_dma semaphore(%arg7 : memref<!tpu.dma_semaphore, #tpu.memory_space<semaphore_mem>>) src(%dma_wait3A_243 : memref<1024x128xf32, #tpu.memory_space<hbm>>) dst(%dma_wait3A_238 : memref<128x128xf32, #tpu.memory_space<vmem>>)
    %add3A_244 = arith.constant 6 : i32
    %add3A_245 = arith.addi %mul3A_2, %add3A_244 : i32
    %dma_start3A_246 = arith.constant 6 : i32
    %dma_start3A_247 = arith.constant 0 : i32
    %dma_start3A_248 = arith.constant 0 : i32
    %dma_start3A_249 = tpu.memref_slice %arg6[%dma_start3A_246, %dma_start3A_247, %dma_start3A_248] : memref<7x128x128xf32, #tpu.memory_space<vmem>> -> memref<1x128x128xf32, #tpu.memory_space<vmem>>
    %dma_start3A_250 = tpu.memref_squeeze %dma_start3A_249 : memref<1x128x128xf32, #tpu.memory_space<vmem>> -> memref<128x128xf32, #tpu.memory_space<vmem>>
    %dma_start3A_251 = arith.constant 0 : i32
    %dma_start3A_252 = arith.constant 0 : i32
    %dma_start3A_253 = tpu.memref_slice %arg4[%add3A_245, %dma_start3A_251, %dma_start3A_252] : memref<288x128x128xf32, #tpu.memory_space<hbm>> -> memref<1x128x128xf32, #tpu.memory_space<hbm>>
    %dma_start3A_254 = tpu.memref_squeeze %dma_start3A_253 : memref<1x128x128xf32, #tpu.memory_space<hbm>> -> memref<128x128xf32, #tpu.memory_space<hbm>>
    %dma_start3A_255 = arith.constant 0 : i32
    %dma_start3A_256 = arith.constant 0 : i32
    %dma_start3A_257 = tpu.memref_slice %arg4[%add3A_245, %dma_start3A_255, %dma_start3A_256] : memref<288x128x128xf32, #tpu.memory_space<hbm>> -> memref<1x128x128xf32, #tpu.memory_space<hbm>>
    %dma_start3A_258 = tpu.memref_squeeze %dma_start3A_257 : memref<1x128x128xf32, #tpu.memory_space<hbm>> -> memref<128x128xf32, #tpu.memory_space<hbm>>
    %dma_start3A_259 = arith.constant 0 : i32
    %dma_start3A_260 = arith.constant 0 : i32
    %dma_start3A_261 = tpu.memref_slice %arg6[%dma_start3A_246, %dma_start3A_259, %dma_start3A_260] : memref<7x128x128xf32, #tpu.memory_space<vmem>> -> memref<1x128x128xf32, #tpu.memory_space<vmem>>
    %dma_start3A_262 = tpu.memref_squeeze %dma_start3A_261 : memref<1x128x128xf32, #tpu.memory_space<vmem>> -> memref<128x128xf32, #tpu.memory_space<vmem>>
    tpu.enqueue_dma source(%dma_start3A_262 : memref<128x128xf32, #tpu.memory_space<vmem>>) target(%dma_start3A_258 : memref<128x128xf32, #tpu.memory_space<hbm>>) target_semaphore(%arg8 : memref<!tpu.dma_semaphore, #tpu.memory_space<semaphore_mem>>)
    %dma_wait3A_263 = arith.constant 0 : i32
    %dma_wait3A_264 = arith.constant 0 : i32
    %dma_wait3A_265 = arith.constant 0 : i32
    %dma_wait3A_266 = tpu.memref_slice %arg6[%dma_wait3A_263, %dma_wait3A_264, %dma_wait3A_265] : memref<7x128x128xf32, #tpu.memory_space<vmem>> -> memref<1x128x128xf32, #tpu.memory_space<vmem>>
    %dma_wait3A_267 = tpu.memref_squeeze %dma_wait3A_266 : memref<1x128x128xf32, #tpu.memory_space<vmem>> -> memref<128x128xf32, #tpu.memory_space<vmem>>
    %dma_wait3A_268 = arith.constant 896 : i32
    %dma_wait3A_269 = tpu.memref_slice %arg5[%dma_wait3A_268] : memref<1152xi32, #tpu.memory_space<vmem>> -> memref<128xi32, #tpu.memory_space<vmem>>
    %dma_wait3A_270 = arith.constant 0 : i32
    %dma_wait3A_271 = arith.constant 0 : i32
    %dma_wait3A_272 = tpu.memref_slice %arg2[%dma_wait3A_270, %dma_wait3A_271] : memref<1024x128xf32, #tpu.memory_space<hbm>> -> memref<1024x128xf32, #tpu.memory_space<hbm>>
    tpu.wait_indirect_dma semaphore(%arg7 : memref<!tpu.dma_semaphore, #tpu.memory_space<semaphore_mem>>) src(%dma_wait3A_272 : memref<1024x128xf32, #tpu.memory_space<hbm>>) dst(%dma_wait3A_267 : memref<128x128xf32, #tpu.memory_space<vmem>>)
    %add3A_273 = arith.constant 7 : i32
    %add3A_274 = arith.addi %mul3A_2, %add3A_273 : i32
    %dma_start3A_275 = arith.constant 0 : i32
    %dma_start3A_276 = arith.constant 0 : i32
    %dma_start3A_277 = arith.constant 0 : i32
    %dma_start3A_278 = tpu.memref_slice %arg6[%dma_start3A_275, %dma_start3A_276, %dma_start3A_277] : memref<7x128x128xf32, #tpu.memory_space<vmem>> -> memref<1x128x128xf32, #tpu.memory_space<vmem>>
    %dma_start3A_279 = tpu.memref_squeeze %dma_start3A_278 : memref<1x128x128xf32, #tpu.memory_space<vmem>> -> memref<128x128xf32, #tpu.memory_space<vmem>>
    %dma_start3A_280 = arith.constant 0 : i32
    %dma_start3A_281 = arith.constant 0 : i32
    %dma_start3A_282 = tpu.memref_slice %arg4[%add3A_274, %dma_start3A_280, %dma_start3A_281] : memref<288x128x128xf32, #tpu.memory_space<hbm>> -> memref<1x128x128xf32, #tpu.memory_space<hbm>>
    %dma_start3A_283 = tpu.memref_squeeze %dma_start3A_282 : memref<1x128x128xf32, #tpu.memory_space<hbm>> -> memref<128x128xf32, #tpu.memory_space<hbm>>
    %dma_start3A_284 = arith.constant 0 : i32
    %dma_start3A_285 = arith.constant 0 : i32
    %dma_start3A_286 = tpu.memref_slice %arg4[%add3A_274, %dma_start3A_284, %dma_start3A_285] : memref<288x128x128xf32, #tpu.memory_space<hbm>> -> memref<1x128x128xf32, #tpu.memory_space<hbm>>
    %dma_start3A_287 = tpu.memref_squeeze %dma_start3A_286 : memref<1x128x128xf32, #tpu.memory_space<hbm>> -> memref<128x128xf32, #tpu.memory_space<hbm>>
    %dma_start3A_288 = arith.constant 0 : i32
    %dma_start3A_289 = arith.constant 0 : i32
    %dma_start3A_290 = tpu.memref_slice %arg6[%dma_start3A_275, %dma_start3A_288, %dma_start3A_289] : memref<7x128x128xf32, #tpu.memory_space<vmem>> -> memref<1x128x128xf32, #tpu.memory_space<vmem>>
    %dma_start3A_291 = tpu.memref_squeeze %dma_start3A_290 : memref<1x128x128xf32, #tpu.memory_space<vmem>> -> memref<128x128xf32, #tpu.memory_space<vmem>>
    tpu.enqueue_dma source(%dma_start3A_291 : memref<128x128xf32, #tpu.memory_space<vmem>>) target(%dma_start3A_287 : memref<128x128xf32, #tpu.memory_space<hbm>>) target_semaphore(%arg8 : memref<!tpu.dma_semaphore, #tpu.memory_space<semaphore_mem>>)
    %dma_wait3A_292 = arith.constant 1 : i32
    %dma_wait3A_293 = arith.constant 0 : i32
    %dma_wait3A_294 = arith.constant 0 : i32
    %dma_wait3A_295 = tpu.memref_slice %arg6[%dma_wait3A_292, %dma_wait3A_293, %dma_wait3A_294] : memref<7x128x128xf32, #tpu.memory_space<vmem>> -> memref<1x128x128xf32, #tpu.memory_space<vmem>>
    %dma_wait3A_296 = tpu.memref_squeeze %dma_wait3A_295 : memref<1x128x128xf32, #tpu.memory_space<vmem>> -> memref<128x128xf32, #tpu.memory_space<vmem>>
    %dma_wait3A_297 = arith.constant 1024 : i32
    %dma_wait3A_298 = tpu.memref_slice %arg5[%dma_wait3A_297] : memref<1152xi32, #tpu.memory_space<vmem>> -> memref<128xi32, #tpu.memory_space<vmem>>
    %dma_wait3A_299 = arith.constant 0 : i32
    %dma_wait3A_300 = arith.constant 0 : i32
    %dma_wait3A_301 = tpu.memref_slice %arg2[%dma_wait3A_299, %dma_wait3A_300] : memref<1024x128xf32, #tpu.memory_space<hbm>> -> memref<1024x128xf32, #tpu.memory_space<hbm>>
    tpu.wait_indirect_dma semaphore(%arg7 : memref<!tpu.dma_semaphore, #tpu.memory_space<semaphore_mem>>) src(%dma_wait3A_301 : memref<1024x128xf32, #tpu.memory_space<hbm>>) dst(%dma_wait3A_296 : memref<128x128xf32, #tpu.memory_space<vmem>>)
    %add3A_302 = arith.constant 8 : i32
    %add3A_303 = arith.addi %mul3A_2, %add3A_302 : i32
    %dma_start3A_304 = arith.constant 1 : i32
    %dma_start3A_305 = arith.constant 0 : i32
    %dma_start3A_306 = arith.constant 0 : i32
    %dma_start3A_307 = tpu.memref_slice %arg6[%dma_start3A_304, %dma_start3A_305, %dma_start3A_306] : memref<7x128x128xf32, #tpu.memory_space<vmem>> -> memref<1x128x128xf32, #tpu.memory_space<vmem>>
    %dma_start3A_308 = tpu.memref_squeeze %dma_start3A_307 : memref<1x128x128xf32, #tpu.memory_space<vmem>> -> memref<128x128xf32, #tpu.memory_space<vmem>>
    %dma_start3A_309 = arith.constant 0 : i32
    %dma_start3A_310 = arith.constant 0 : i32
    %dma_start3A_311 = tpu.memref_slice %arg4[%add3A_303, %dma_start3A_309, %dma_start3A_310] : memref<288x128x128xf32, #tpu.memory_space<hbm>> -> memref<1x128x128xf32, #tpu.memory_space<hbm>>
    %dma_start3A_312 = tpu.memref_squeeze %dma_start3A_311 : memref<1x128x128xf32, #tpu.memory_space<hbm>> -> memref<128x128xf32, #tpu.memory_space<hbm>>
    %dma_start3A_313 = arith.constant 0 : i32
    %dma_start3A_314 = arith.constant 0 : i32
    %dma_start3A_315 = tpu.memref_slice %arg4[%add3A_303, %dma_start3A_313, %dma_start3A_314] : memref<288x128x128xf32, #tpu.memory_space<hbm>> -> memref<1x128x128xf32, #tpu.memory_space<hbm>>
    %dma_start3A_316 = tpu.memref_squeeze %dma_start3A_315 : memref<1x128x128xf32, #tpu.memory_space<hbm>> -> memref<128x128xf32, #tpu.memory_space<hbm>>
    %dma_start3A_317 = arith.constant 0 : i32
    %dma_start3A_318 = arith.constant 0 : i32
    %dma_start3A_319 = tpu.memref_slice %arg6[%dma_start3A_304, %dma_start3A_317, %dma_start3A_318] : memref<7x128x128xf32, #tpu.memory_space<vmem>> -> memref<1x128x128xf32, #tpu.memory_space<vmem>>
    %dma_start3A_320 = tpu.memref_squeeze %dma_start3A_319 : memref<1x128x128xf32, #tpu.memory_space<vmem>> -> memref<128x128xf32, #tpu.memory_space<vmem>>
    tpu.enqueue_dma source(%dma_start3A_320 : memref<128x128xf32, #tpu.memory_space<vmem>>) target(%dma_start3A_316 : memref<128x128xf32, #tpu.memory_space<hbm>>) target_semaphore(%arg8 : memref<!tpu.dma_semaphore, #tpu.memory_space<semaphore_mem>>)
    %dma_wait3A_321 = arith.constant 2 : i32
    %dma_wait3A_322 = arith.constant 0 : i32
    %dma_wait3A_323 = arith.constant 0 : i32
    %dma_wait3A_324 = tpu.memref_slice %arg6[%dma_wait3A_321, %dma_wait3A_322, %dma_wait3A_323] : memref<7x128x128xf32, #tpu.memory_space<vmem>> -> memref<1x128x128xf32, #tpu.memory_space<vmem>>
    %dma_wait3A_325 = tpu.memref_squeeze %dma_wait3A_324 : memref<1x128x128xf32, #tpu.memory_space<vmem>> -> memref<128x128xf32, #tpu.memory_space<vmem>>
    %dma_wait3A_326 = arith.constant 0 : i32
    %dma_wait3A_327 = arith.constant 0 : i32
    %dma_wait3A_328 = tpu.memref_slice %arg4[%add3A_129, %dma_wait3A_326, %dma_wait3A_327] : memref<288x128x128xf32, #tpu.memory_space<hbm>> -> memref<1x128x128xf32, #tpu.memory_space<hbm>>
    %dma_wait3A_329 = tpu.memref_squeeze %dma_wait3A_328 : memref<1x128x128xf32, #tpu.memory_space<hbm>> -> memref<128x128xf32, #tpu.memory_space<hbm>>
    %dma_wait3A_330 = arith.constant 0 : i32
    %dma_wait3A_331 = arith.constant 0 : i32
    %dma_wait3A_332 = tpu.memref_slice %arg4[%add3A_129, %dma_wait3A_330, %dma_wait3A_331] : memref<288x128x128xf32, #tpu.memory_space<hbm>> -> memref<1x128x128xf32, #tpu.memory_space<hbm>>
    %dma_wait3A_333 = tpu.memref_squeeze %dma_wait3A_332 : memref<1x128x128xf32, #tpu.memory_space<hbm>> -> memref<128x128xf32, #tpu.memory_space<hbm>>
    %dma_wait3A_334 = arith.constant 0 : i32
    %dma_wait3A_335 = arith.constant 0 : i32
    %dma_wait3A_336 = tpu.memref_slice %arg6[%dma_wait3A_321, %dma_wait3A_334, %dma_wait3A_335] : memref<7x128x128xf32, #tpu.memory_space<vmem>> -> memref<1x128x128xf32, #tpu.memory_space<vmem>>
    %dma_wait3A_337 = tpu.memref_squeeze %dma_wait3A_336 : memref<1x128x128xf32, #tpu.memory_space<vmem>> -> memref<128x128xf32, #tpu.memory_space<vmem>>
    tpu.wait_dma2 semaphore(%arg8 : memref<!tpu.dma_semaphore, #tpu.memory_space<semaphore_mem>>) src(%dma_wait3A_337 : memref<128x128xf32, #tpu.memory_space<vmem>>) dst(%dma_wait3A_333 : memref<128x128xf32, #tpu.memory_space<hbm>>)
    %dma_wait3A_338 = arith.constant 3 : i32
    %dma_wait3A_339 = arith.constant 0 : i32
    %dma_wait3A_340 = arith.constant 0 : i32
    %dma_wait3A_341 = tpu.memref_slice %arg6[%dma_wait3A_338, %dma_wait3A_339, %dma_wait3A_340] : memref<7x128x128xf32, #tpu.memory_space<vmem>> -> memref<1x128x128xf32, #tpu.memory_space<vmem>>
    %dma_wait3A_342 = tpu.memref_squeeze %dma_wait3A_341 : memref<1x128x128xf32, #tpu.memory_space<vmem>> -> memref<128x128xf32, #tpu.memory_space<vmem>>
    %dma_wait3A_343 = arith.constant 0 : i32
    %dma_wait3A_344 = arith.constant 0 : i32
    %dma_wait3A_345 = tpu.memref_slice %arg4[%add3A_158, %dma_wait3A_343, %dma_wait3A_344] : memref<288x128x128xf32, #tpu.memory_space<hbm>> -> memref<1x128x128xf32, #tpu.memory_space<hbm>>
    %dma_wait3A_346 = tpu.memref_squeeze %dma_wait3A_345 : memref<1x128x128xf32, #tpu.memory_space<hbm>> -> memref<128x128xf32, #tpu.memory_space<hbm>>
    %dma_wait3A_347 = arith.constant 0 : i32
    %dma_wait3A_348 = arith.constant 0 : i32
    %dma_wait3A_349 = tpu.memref_slice %arg4[%add3A_158, %dma_wait3A_347, %dma_wait3A_348] : memref<288x128x128xf32, #tpu.memory_space<hbm>> -> memref<1x128x128xf32, #tpu.memory_space<hbm>>
    %dma_wait3A_350 = tpu.memref_squeeze %dma_wait3A_349 : memref<1x128x128xf32, #tpu.memory_space<hbm>> -> memref<128x128xf32, #tpu.memory_space<hbm>>
    %dma_wait3A_351 = arith.constant 0 : i32
    %dma_wait3A_352 = arith.constant 0 : i32
    %dma_wait3A_353 = tpu.memref_slice %arg6[%dma_wait3A_338, %dma_wait3A_351, %dma_wait3A_352] : memref<7x128x128xf32, #tpu.memory_space<vmem>> -> memref<1x128x128xf32, #tpu.memory_space<vmem>>
    %dma_wait3A_354 = tpu.memref_squeeze %dma_wait3A_353 : memref<1x128x128xf32, #tpu.memory_space<vmem>> -> memref<128x128xf32, #tpu.memory_space<vmem>>
    tpu.wait_dma2 semaphore(%arg8 : memref<!tpu.dma_semaphore, #tpu.memory_space<semaphore_mem>>) src(%dma_wait3A_354 : memref<128x128xf32, #tpu.memory_space<vmem>>) dst(%dma_wait3A_350 : memref<128x128xf32, #tpu.memory_space<hbm>>)
    %dma_wait3A_355 = arith.constant 4 : i32
    %dma_wait3A_356 = arith.constant 0 : i32
    %dma_wait3A_357 = arith.constant 0 : i32
    %dma_wait3A_358 = tpu.memref_slice %arg6[%dma_wait3A_355, %dma_wait3A_356, %dma_wait3A_357] : memref<7x128x128xf32, #tpu.memory_space<vmem>> -> memref<1x128x128xf32, #tpu.memory_space<vmem>>
    %dma_wait3A_359 = tpu.memref_squeeze %dma_wait3A_358 : memref<1x128x128xf32, #tpu.memory_space<vmem>> -> memref<128x128xf32, #tpu.memory_space<vmem>>
    %dma_wait3A_360 = arith.constant 0 : i32
    %dma_wait3A_361 = arith.constant 0 : i32
    %dma_wait3A_362 = tpu.memref_slice %arg4[%add3A_187, %dma_wait3A_360, %dma_wait3A_361] : memref<288x128x128xf32, #tpu.memory_space<hbm>> -> memref<1x128x128xf32, #tpu.memory_space<hbm>>
    %dma_wait3A_363 = tpu.memref_squeeze %dma_wait3A_362 : memref<1x128x128xf32, #tpu.memory_space<hbm>> -> memref<128x128xf32, #tpu.memory_space<hbm>>
    %dma_wait3A_364 = arith.constant 0 : i32
    %dma_wait3A_365 = arith.constant 0 : i32
    %dma_wait3A_366 = tpu.memref_slice %arg4[%add3A_187, %dma_wait3A_364, %dma_wait3A_365] : memref<288x128x128xf32, #tpu.memory_space<hbm>> -> memref<1x128x128xf32, #tpu.memory_space<hbm>>
    %dma_wait3A_367 = tpu.memref_squeeze %dma_wait3A_366 : memref<1x128x128xf32, #tpu.memory_space<hbm>> -> memref<128x128xf32, #tpu.memory_space<hbm>>
    %dma_wait3A_368 = arith.constant 0 : i32
    %dma_wait3A_369 = arith.constant 0 : i32
    %dma_wait3A_370 = tpu.memref_slice %arg6[%dma_wait3A_355, %dma_wait3A_368, %dma_wait3A_369] : memref<7x128x128xf32, #tpu.memory_space<vmem>> -> memref<1x128x128xf32, #tpu.memory_space<vmem>>
    %dma_wait3A_371 = tpu.memref_squeeze %dma_wait3A_370 : memref<1x128x128xf32, #tpu.memory_space<vmem>> -> memref<128x128xf32, #tpu.memory_space<vmem>>
    tpu.wait_dma2 semaphore(%arg8 : memref<!tpu.dma_semaphore, #tpu.memory_space<semaphore_mem>>) src(%dma_wait3A_371 : memref<128x128xf32, #tpu.memory_space<vmem>>) dst(%dma_wait3A_367 : memref<128x128xf32, #tpu.memory_space<hbm>>)
    %dma_wait3A_372 = arith.constant 5 : i32
    %dma_wait3A_373 = arith.constant 0 : i32
    %dma_wait3A_374 = arith.constant 0 : i32
    %dma_wait3A_375 = tpu.memref_slice %arg6[%dma_wait3A_372, %dma_wait3A_373, %dma_wait3A_374] : memref<7x128x128xf32, #tpu.memory_space<vmem>> -> memref<1x128x128xf32, #tpu.memory_space<vmem>>
    %dma_wait3A_376 = tpu.memref_squeeze %dma_wait3A_375 : memref<1x128x128xf32, #tpu.memory_space<vmem>> -> memref<128x128xf32, #tpu.memory_space<vmem>>
    %dma_wait3A_377 = arith.constant 0 : i32
    %dma_wait3A_378 = arith.constant 0 : i32
    %dma_wait3A_379 = tpu.memref_slice %arg4[%add3A_216, %dma_wait3A_377, %dma_wait3A_378] : memref<288x128x128xf32, #tpu.memory_space<hbm>> -> memref<1x128x128xf32, #tpu.memory_space<hbm>>
    %dma_wait3A_380 = tpu.memref_squeeze %dma_wait3A_379 : memref<1x128x128xf32, #tpu.memory_space<hbm>> -> memref<128x128xf32, #tpu.memory_space<hbm>>
    %dma_wait3A_381 = arith.constant 0 : i32
    %dma_wait3A_382 = arith.constant 0 : i32
    %dma_wait3A_383 = tpu.memref_slice %arg4[%add3A_216, %dma_wait3A_381, %dma_wait3A_382] : memref<288x128x128xf32, #tpu.memory_space<hbm>> -> memref<1x128x128xf32, #tpu.memory_space<hbm>>
    %dma_wait3A_384 = tpu.memref_squeeze %dma_wait3A_383 : memref<1x128x128xf32, #tpu.memory_space<hbm>> -> memref<128x128xf32, #tpu.memory_space<hbm>>
    %dma_wait3A_385 = arith.constant 0 : i32
    %dma_wait3A_386 = arith.constant 0 : i32
    %dma_wait3A_387 = tpu.memref_slice %arg6[%dma_wait3A_372, %dma_wait3A_385, %dma_wait3A_386] : memref<7x128x128xf32, #tpu.memory_space<vmem>> -> memref<1x128x128xf32, #tpu.memory_space<vmem>>
    %dma_wait3A_388 = tpu.memref_squeeze %dma_wait3A_387 : memref<1x128x128xf32, #tpu.memory_space<vmem>> -> memref<128x128xf32, #tpu.memory_space<vmem>>
    tpu.wait_dma2 semaphore(%arg8 : memref<!tpu.dma_semaphore, #tpu.memory_space<semaphore_mem>>) src(%dma_wait3A_388 : memref<128x128xf32, #tpu.memory_space<vmem>>) dst(%dma_wait3A_384 : memref<128x128xf32, #tpu.memory_space<hbm>>)
    %dma_wait3A_389 = arith.constant 6 : i32
    %dma_wait3A_390 = arith.constant 0 : i32
    %dma_wait3A_391 = arith.constant 0 : i32
    %dma_wait3A_392 = tpu.memref_slice %arg6[%dma_wait3A_389, %dma_wait3A_390, %dma_wait3A_391] : memref<7x128x128xf32, #tpu.memory_space<vmem>> -> memref<1x128x128xf32, #tpu.memory_space<vmem>>
    %dma_wait3A_393 = tpu.memref_squeeze %dma_wait3A_392 : memref<1x128x128xf32, #tpu.memory_space<vmem>> -> memref<128x128xf32, #tpu.memory_space<vmem>>
    %dma_wait3A_394 = arith.constant 0 : i32
    %dma_wait3A_395 = arith.constant 0 : i32
    %dma_wait3A_396 = tpu.memref_slice %arg4[%add3A_245, %dma_wait3A_394, %dma_wait3A_395] : memref<288x128x128xf32, #tpu.memory_space<hbm>> -> memref<1x128x128xf32, #tpu.memory_space<hbm>>
    %dma_wait3A_397 = tpu.memref_squeeze %dma_wait3A_396 : memref<1x128x128xf32, #tpu.memory_space<hbm>> -> memref<128x128xf32, #tpu.memory_space<hbm>>
    %dma_wait3A_398 = arith.constant 0 : i32
    %dma_wait3A_399 = arith.constant 0 : i32
    %dma_wait3A_400 = tpu.memref_slice %arg4[%add3A_245, %dma_wait3A_398, %dma_wait3A_399] : memref<288x128x128xf32, #tpu.memory_space<hbm>> -> memref<1x128x128xf32, #tpu.memory_space<hbm>>
    %dma_wait3A_401 = tpu.memref_squeeze %dma_wait3A_400 : memref<1x128x128xf32, #tpu.memory_space<hbm>> -> memref<128x128xf32, #tpu.memory_space<hbm>>
    %dma_wait3A_402 = arith.constant 0 : i32
    %dma_wait3A_403 = arith.constant 0 : i32
    %dma_wait3A_404 = tpu.memref_slice %arg6[%dma_wait3A_389, %dma_wait3A_402, %dma_wait3A_403] : memref<7x128x128xf32, #tpu.memory_space<vmem>> -> memref<1x128x128xf32, #tpu.memory_space<vmem>>
    %dma_wait3A_405 = tpu.memref_squeeze %dma_wait3A_404 : memref<1x128x128xf32, #tpu.memory_space<vmem>> -> memref<128x128xf32, #tpu.memory_space<vmem>>
    tpu.wait_dma2 semaphore(%arg8 : memref<!tpu.dma_semaphore, #tpu.memory_space<semaphore_mem>>) src(%dma_wait3A_405 : memref<128x128xf32, #tpu.memory_space<vmem>>) dst(%dma_wait3A_401 : memref<128x128xf32, #tpu.memory_space<hbm>>)
    %dma_wait3A_406 = arith.constant 0 : i32
    %dma_wait3A_407 = arith.constant 0 : i32
    %dma_wait3A_408 = arith.constant 0 : i32
    %dma_wait3A_409 = tpu.memref_slice %arg6[%dma_wait3A_406, %dma_wait3A_407, %dma_wait3A_408] : memref<7x128x128xf32, #tpu.memory_space<vmem>> -> memref<1x128x128xf32, #tpu.memory_space<vmem>>
    %dma_wait3A_410 = tpu.memref_squeeze %dma_wait3A_409 : memref<1x128x128xf32, #tpu.memory_space<vmem>> -> memref<128x128xf32, #tpu.memory_space<vmem>>
    %dma_wait3A_411 = arith.constant 0 : i32
    %dma_wait3A_412 = arith.constant 0 : i32
    %dma_wait3A_413 = tpu.memref_slice %arg4[%add3A_274, %dma_wait3A_411, %dma_wait3A_412] : memref<288x128x128xf32, #tpu.memory_space<hbm>> -> memref<1x128x128xf32, #tpu.memory_space<hbm>>
    %dma_wait3A_414 = tpu.memref_squeeze %dma_wait3A_413 : memref<1x128x128xf32, #tpu.memory_space<hbm>> -> memref<128x128xf32, #tpu.memory_space<hbm>>
    %dma_wait3A_415 = arith.constant 0 : i32
    %dma_wait3A_416 = arith.constant 0 : i32
    %dma_wait3A_417 = tpu.memref_slice %arg4[%add3A_274, %dma_wait3A_415, %dma_wait3A_416] : memref<288x128x128xf32, #tpu.memory_space<hbm>> -> memref<1x128x128xf32, #tpu.memory_space<hbm>>
    %dma_wait3A_418 = tpu.memref_squeeze %dma_wait3A_417 : memref<1x128x128xf32, #tpu.memory_space<hbm>> -> memref<128x128xf32, #tpu.memory_space<hbm>>
    %dma_wait3A_419 = arith.constant 0 : i32
    %dma_wait3A_420 = arith.constant 0 : i32
    %dma_wait3A_421 = tpu.memref_slice %arg6[%dma_wait3A_406, %dma_wait3A_419, %dma_wait3A_420] : memref<7x128x128xf32, #tpu.memory_space<vmem>> -> memref<1x128x128xf32, #tpu.memory_space<vmem>>
    %dma_wait3A_422 = tpu.memref_squeeze %dma_wait3A_421 : memref<1x128x128xf32, #tpu.memory_space<vmem>> -> memref<128x128xf32, #tpu.memory_space<vmem>>
    tpu.wait_dma2 semaphore(%arg8 : memref<!tpu.dma_semaphore, #tpu.memory_space<semaphore_mem>>) src(%dma_wait3A_422 : memref<128x128xf32, #tpu.memory_space<vmem>>) dst(%dma_wait3A_418 : memref<128x128xf32, #tpu.memory_space<hbm>>)
    %dma_wait3A_423 = arith.constant 1 : i32
    %dma_wait3A_424 = arith.constant 0 : i32
    %dma_wait3A_425 = arith.constant 0 : i32
    %dma_wait3A_426 = tpu.memref_slice %arg6[%dma_wait3A_423, %dma_wait3A_424, %dma_wait3A_425] : memref<7x128x128xf32, #tpu.memory_space<vmem>> -> memref<1x128x128xf32, #tpu.memory_space<vmem>>
    %dma_wait3A_427 = tpu.memref_squeeze %dma_wait3A_426 : memref<1x128x128xf32, #tpu.memory_space<vmem>> -> memref<128x128xf32, #tpu.memory_space<vmem>>
    %dma_wait3A_428 = arith.constant 0 : i32
    %dma_wait3A_429 = arith.constant 0 : i32
    %dma_wait3A_430 = tpu.memref_slice %arg4[%add3A_303, %dma_wait3A_428, %dma_wait3A_429] : memref<288x128x128xf32, #tpu.memory_space<hbm>> -> memref<1x128x128xf32, #tpu.memory_space<hbm>>
    %dma_wait3A_431 = tpu.memref_squeeze %dma_wait3A_430 : memref<1x128x128xf32, #tpu.memory_space<hbm>> -> memref<128x128xf32, #tpu.memory_space<hbm>>
    %dma_wait3A_432 = arith.constant 0 : i32
    %dma_wait3A_433 = arith.constant 0 : i32
    %dma_wait3A_434 = tpu.memref_slice %arg4[%add3A_303, %dma_wait3A_432, %dma_wait3A_433] : memref<288x128x128xf32, #tpu.memory_space<hbm>> -> memref<1x128x128xf32, #tpu.memory_space<hbm>>
    %dma_wait3A_435 = tpu.memref_squeeze %dma_wait3A_434 : memref<1x128x128xf32, #tpu.memory_space<hbm>> -> memref<128x128xf32, #tpu.memory_space<hbm>>
    %dma_wait3A_436 = arith.constant 0 : i32
    %dma_wait3A_437 = arith.constant 0 : i32
    %dma_wait3A_438 = tpu.memref_slice %arg6[%dma_wait3A_423, %dma_wait3A_436, %dma_wait3A_437] : memref<7x128x128xf32, #tpu.memory_space<vmem>> -> memref<1x128x128xf32, #tpu.memory_space<vmem>>
    %dma_wait3A_439 = tpu.memref_squeeze %dma_wait3A_438 : memref<1x128x128xf32, #tpu.memory_space<vmem>> -> memref<128x128xf32, #tpu.memory_space<vmem>>
    tpu.wait_dma2 semaphore(%arg8 : memref<!tpu.dma_semaphore, #tpu.memory_space<semaphore_mem>>) src(%dma_wait3A_439 : memref<128x128xf32, #tpu.memory_space<vmem>>) dst(%dma_wait3A_435 : memref<128x128xf32, #tpu.memory_space<hbm>>)
    return
  }
}

module attributes {stable_mosaic.version = 14 : i64} {
  func.func @_tc_body(%arg0: i32, %arg1: memref<2048x64xf32, #tpu.memory_space<vmem>>, %arg2: memref<64x1024xf32, #tpu.memory_space<vmem>>, %arg3: memref<1024x64xf32, #tpu.memory_space<vmem>>, %arg4: memref<2048xi32, #tpu.memory_space<vmem>>, %arg5: memref<1x1xf32, #tpu.memory_space<smem>>, %arg6: memref<1xf32, #tpu.memory_space<smem>>) attributes {dimension_semantics = [#tpu.dimension_semantics<arbitrary>], iteration_bounds = array<i64: 18>, scalar_prefetch = 0 : i64, scratch_operands = 1 : i64, tpu.core_type = #tpu.core_type<tc>, window_params = [{transform_indices = @transform_0, window_bounds = array<i64: 2048, 64>}, {pipeline_mode = #tpu.pipeline_mode<synchronous>, transform_indices = @transform_1, window_bounds = array<i64: 64, 1024>}, {pipeline_mode = #tpu.pipeline_mode<synchronous>, transform_indices = @transform_2, window_bounds = array<i64: 1024, 64>}, {transform_indices = @transform_3, window_bounds = array<i64: 2048>}, {transform_indices = @transform_4, window_bounds = array<i64: 1, 1>}]} {
    %get3A = arith.constant 0 : index
    %get3A_0 = arith.constant 0 : index
    %get3A_1 = vector.load %arg1[%get3A, %get3A_0] : memref<2048x64xf32, #tpu.memory_space<vmem>>, vector<2048x64xf32>
    %get3A_2 = arith.constant 0 : index
    %get3A_3 = arith.constant 0 : index
    %get3A_4 = vector.load %arg2[%get3A_2, %get3A_3] : memref<64x1024xf32, #tpu.memory_space<vmem>>, vector<64x1024xf32>
    %mul3A = arith.mulf %get3A_4, %get3A_4 : vector<64x1024xf32>
    %reduce_sum3A = arith.constant dense<0.000000e+00> : vector<1024xf32>
    %reduce_sum3A_5 = vector.multi_reduction <add>, %mul3A, %reduce_sum3A [0] : vector<64x1024xf32> to vector<1024xf32>
    %broadcast_in_dim3A = vector.shape_cast %reduce_sum3A_5 : vector<1024xf32> to vector<1x1024xf32>
    %mul3A_6 = arith.mulf %get3A_1, %get3A_1 : vector<2048x64xf32>
    %reduce_sum3A_7 = arith.constant dense<0.000000e+00> : vector<2048xf32>
    %reduce_sum3A_8 = vector.multi_reduction <add>, %mul3A_6, %reduce_sum3A_7 [1] : vector<2048x64xf32> to vector<2048xf32>
    %broadcast_in_dim3A_9 = vector.shape_cast %reduce_sum3A_8 : vector<2048xf32> to vector<2048x1xf32>
    %mul3A_10 = arith.constant 2.000000e+00 : f32
    %mul3A_11 = vector.broadcast %mul3A_10 : f32 to vector<2048x64xf32>
    %mul3A_12 = arith.mulf %get3A_1, %mul3A_11 : vector<2048x64xf32>
    %get3A_13 = arith.constant 0 : index
    %get3A_14 = arith.constant 0 : index
    %get3A_15 = vector.load %arg3[%get3A_13, %get3A_14] : memref<1024x64xf32, #tpu.memory_space<vmem>>, vector<1024x64xf32>
    %dot_general3A = arith.constant dense<0.000000e+00> : vector<2048x1024xf32>
    %dot_general3A_16 = tpu.matmul %mul3A_12, %get3A_15, %dot_general3A {dimension_numbers = #tpu.dot_dimension_numbers<[1], [1], [0], [0], [0, 0, 1, 0], [], []>, transpose_lhs_hint = false} : vector<2048x64xf32>, vector<1024x64xf32>, vector<2048x1024xf32> -> vector<2048x1024xf32>
    %add3A = vector.broadcast %broadcast_in_dim3A_9 : vector<2048x1xf32> to vector<2048x1024xf32>
    %add3A_17 = vector.broadcast %broadcast_in_dim3A : vector<1x1024xf32> to vector<2048x1024xf32>
    %add3A_18 = arith.addf %add3A, %add3A_17 : vector<2048x1024xf32>
    %sub3A = arith.subf %add3A_18, %dot_general3A_16 : vector<2048x1024xf32>
    %max3A = arith.constant 0.000000e+00 : f32
    %max3A_19 = vector.broadcast %max3A : f32 to vector<2048x1024xf32>
    %max3A_20 = arith.maximumf %sub3A, %max3A_19 : vector<2048x1024xf32>
    %reduce_min3A = arith.constant dense<0x7F800000> : vector<2048xf32>
    %reduce_min3A_21 = vector.multi_reduction <minimumf>, %max3A_20, %reduce_min3A [1] : vector<2048x1024xf32> to vector<2048xf32>
    %broadcast_in_dim3A_22 = vector.shape_cast %reduce_min3A_21 : vector<2048xf32> to vector<2048x1xf32>
    %sqrt3A = math.sqrt %broadcast_in_dim3A_22 : vector<2048x1xf32>
    %bitcast_convert_type3A = tpu.bitcast %broadcast_in_dim3A_22 : vector<2048x1xf32> -> vector<2048x1xi32>
    %ge3A = arith.constant 0.000000e+00 : f32
    %ge3A_23 = vector.broadcast %ge3A : f32 to vector<2048x1xf32>
    %ge3A_24 = arith.cmpf oge, %broadcast_in_dim3A_22, %ge3A_23 : vector<2048x1xf32>
    %add3A_25 = arith.constant 1 : i32
    %add3A_26 = vector.broadcast %add3A_25 : i32 to vector<2048x1xi32>
    %add3A_27 = arith.addi %bitcast_convert_type3A, %add3A_26 : vector<2048x1xi32>
    %bitcast_convert_type3A_28 = tpu.bitcast %add3A_27 : vector<2048x1xi32> -> vector<2048x1xf32>
    %sqrt3A_29 = math.sqrt %bitcast_convert_type3A_28 : vector<2048x1xf32>
    %eq3A = arith.cmpf oeq, %sqrt3A_29, %sqrt3A : vector<2048x1xf32>
    %and3A = arith.andi %ge3A_24, %eq3A : vector<2048x1xi1>
    %select_n3A = arith.select %and3A, %bitcast_convert_type3A_28, %broadcast_in_dim3A_22 : vector<2048x1xi1>, vector<2048x1xf32>
    %add3A_30 = arith.constant 2 : i32
    %add3A_31 = vector.broadcast %add3A_30 : i32 to vector<2048x1xi32>
    %add3A_32 = arith.addi %bitcast_convert_type3A, %add3A_31 : vector<2048x1xi32>
    %bitcast_convert_type3A_33 = tpu.bitcast %add3A_32 : vector<2048x1xi32> -> vector<2048x1xf32>
    %sqrt3A_34 = math.sqrt %bitcast_convert_type3A_33 : vector<2048x1xf32>
    %eq3A_35 = arith.cmpf oeq, %sqrt3A_34, %sqrt3A : vector<2048x1xf32>
    %and3A_36 = arith.andi %and3A, %eq3A_35 : vector<2048x1xi1>
    %select_n3A_37 = arith.select %and3A_36, %bitcast_convert_type3A_33, %select_n3A : vector<2048x1xi1>, vector<2048x1xf32>
    %add3A_38 = arith.constant 3 : i32
    %add3A_39 = vector.broadcast %add3A_38 : i32 to vector<2048x1xi32>
    %add3A_40 = arith.addi %bitcast_convert_type3A, %add3A_39 : vector<2048x1xi32>
    %bitcast_convert_type3A_41 = tpu.bitcast %add3A_40 : vector<2048x1xi32> -> vector<2048x1xf32>
    %sqrt3A_42 = math.sqrt %bitcast_convert_type3A_41 : vector<2048x1xf32>
    %eq3A_43 = arith.cmpf oeq, %sqrt3A_42, %sqrt3A : vector<2048x1xf32>
    %and3A_44 = arith.andi %and3A_36, %eq3A_43 : vector<2048x1xi1>
    %select_n3A_45 = arith.select %and3A_44, %bitcast_convert_type3A_41, %select_n3A_37 : vector<2048x1xi1>, vector<2048x1xf32>
    %add3A_46 = arith.constant 4 : i32
    %add3A_47 = vector.broadcast %add3A_46 : i32 to vector<2048x1xi32>
    %add3A_48 = arith.addi %bitcast_convert_type3A, %add3A_47 : vector<2048x1xi32>
    %bitcast_convert_type3A_49 = tpu.bitcast %add3A_48 : vector<2048x1xi32> -> vector<2048x1xf32>
    %sqrt3A_50 = math.sqrt %bitcast_convert_type3A_49 : vector<2048x1xf32>
    %eq3A_51 = arith.cmpf oeq, %sqrt3A_50, %sqrt3A : vector<2048x1xf32>
    %and3A_52 = arith.andi %and3A_44, %eq3A_51 : vector<2048x1xi1>
    %select_n3A_53 = arith.select %and3A_52, %bitcast_convert_type3A_49, %select_n3A_45 : vector<2048x1xi1>, vector<2048x1xf32>
    %add3A_54 = arith.constant 5 : i32
    %add3A_55 = vector.broadcast %add3A_54 : i32 to vector<2048x1xi32>
    %add3A_56 = arith.addi %bitcast_convert_type3A, %add3A_55 : vector<2048x1xi32>
    %bitcast_convert_type3A_57 = tpu.bitcast %add3A_56 : vector<2048x1xi32> -> vector<2048x1xf32>
    %sqrt3A_58 = math.sqrt %bitcast_convert_type3A_57 : vector<2048x1xf32>
    %eq3A_59 = arith.cmpf oeq, %sqrt3A_58, %sqrt3A : vector<2048x1xf32>
    %and3A_60 = arith.andi %and3A_52, %eq3A_59 : vector<2048x1xi1>
    %select_n3A_61 = arith.select %and3A_60, %bitcast_convert_type3A_57, %select_n3A_53 : vector<2048x1xi1>, vector<2048x1xf32>
    %iota3A = tpu.iota {dimensions = array<i32: 1>} : vector<1x1024xi32>
    %convert_element_type3A = arith.sitofp %iota3A : vector<1x1024xi32> to vector<1x1024xf32>
    %le3A = vector.broadcast %select_n3A_61 : vector<2048x1xf32> to vector<2048x1024xf32>
    %le3A_62 = arith.cmpf ole, %max3A_20, %le3A : vector<2048x1024xf32>
    %jit3A = arith.constant 1.024000e+03 : f32
    %broadcast_in_dim3A_63 = vector.shape_cast %convert_element_type3A : vector<1x1024xf32> to vector<1x1024xf32>
    %broadcast_in_dim3A_64 = vector.broadcast %broadcast_in_dim3A_63 : vector<1x1024xf32> to vector<2048x1024xf32>
    %broadcast_in_dim3A_65 = vector.broadcast %jit3A : f32 to vector<2048x1024xf32>
    %select_n3A_66 = arith.select %le3A_62, %broadcast_in_dim3A_64, %broadcast_in_dim3A_65 : vector<2048x1024xi1>, vector<2048x1024xf32>
    %reduce_min3A_67 = arith.constant dense<0x7F800000> : vector<2048xf32>
    %reduce_min3A_68 = vector.multi_reduction <minimumf>, %select_n3A_66, %reduce_min3A_67 [1] : vector<2048x1024xf32> to vector<2048xf32>
    %convert_element_type3A_69 = arith.fptosi %reduce_min3A_68 : vector<2048xf32> to vector<2048xi32>
    %swap3A = arith.constant 0 : index
    %swap3A_70 = vector.load %arg4[%swap3A] : memref<2048xi32, #tpu.memory_space<vmem>>, vector<2048xi32>
    tpu.vector_store %arg4[%swap3A], %convert_element_type3A_69 {strides = array<i32>} : memref<2048xi32, #tpu.memory_space<vmem>>, vector<2048xi32>,
    %eq3A_71 = arith.constant 0 : i32
    %eq3A_72 = arith.cmpi eq, %arg0, %eq3A_71 : i32
    %convert_element_type3A_73 = arith.extui %eq3A_72 : i1 to i32
    %cond3A = arith.constant 0 : i32
    %cond3A_74 = arith.cmpi ne, %convert_element_type3A_73, %cond3A : i32
    scf.if %cond3A_74 {
      %swap3A_90 = arith.constant 0.000000e+00 : f32
      %swap3A_91 = arith.constant 0 : index
      %swap3A_92 = memref.load %arg6[%swap3A_91] : memref<1xf32, #tpu.memory_space<smem>>
      memref.store %swap3A_90, %arg6[%swap3A_91] : memref<1xf32, #tpu.memory_space<smem>>
    } else {
    }
    %get3A_75 = arith.constant 0 : index
    %get3A_76 = memref.load %arg6[%get3A_75] : memref<1xf32, #tpu.memory_space<smem>>
    %reduce_sum3A_77 = vector.shape_cast %broadcast_in_dim3A_22 : vector<2048x1xf32> to vector<1x2048x1xf32>
    %reduce_sum3A_78 = arith.constant dense<0.000000e+00> : vector<1xf32>
    %reduce_sum3A_79 = vector.multi_reduction <add>, %reduce_sum3A_77, %reduce_sum3A_78 [1, 2] : vector<1x2048x1xf32> to vector<1xf32>
    %reduce_sum3A_80 = vector.shape_cast %reduce_sum3A_79 : vector<1xf32> to vector<1x1x1xf32>
    %reduce_sum3A_81 = vector.extract %reduce_sum3A_80[0, 0, 0] : f32 from vector<1x1x1xf32>
    %add3A_82 = arith.addf %get3A_76, %reduce_sum3A_81 : f32
    %swap3A_83 = arith.constant 0 : index
    %swap3A_84 = memref.load %arg6[%swap3A_83] : memref<1xf32, #tpu.memory_space<smem>>
    memref.store %add3A_82, %arg6[%swap3A_83] : memref<1xf32, #tpu.memory_space<smem>>
    %eq3A_85 = arith.constant 17 : i32
    %eq3A_86 = arith.cmpi eq, %arg0, %eq3A_85 : i32
    %convert_element_type3A_87 = arith.extui %eq3A_86 : i1 to i32
    %cond3A_88 = arith.constant 0 : i32
    %cond3A_89 = arith.cmpi ne, %convert_element_type3A_87, %cond3A_88 : i32
    scf.if %cond3A_89 {
      %get3A_90 = arith.constant 0 : index
      %get3A_91 = memref.load %arg6[%get3A_90] : memref<1xf32, #tpu.memory_space<smem>>
      %mul3A_92 = arith.constant 5.2981909E-7 : f32
      %mul3A_93 = arith.mulf %get3A_91, %mul3A_92 : f32
      %swap3A_94 = arith.constant 0 : index
      %swap3A_95 = arith.constant 0 : index
      %swap3A_96 = memref.load %arg5[%swap3A_94, %swap3A_95] : memref<1x1xf32, #tpu.memory_space<smem>>
      memref.store %mul3A_93, %arg5[%swap3A_94, %swap3A_95] : memref<1x1xf32, #tpu.memory_space<smem>>
    } else {
    }
    return
  }
  func.func @transform_0(%arg0: i32) -> (i32, i32) {
    %c0_i32 = arith.constant 0 : i32
    %c0_i32_0 = arith.constant 0 : i32
    return %arg0, %c0_i32 : i32, i32
  }
  func.func @transform_1(%arg0: i32) -> (i32, i32) {
    %c0_i32 = arith.constant 0 : i32
    %c0_i32_0 = arith.constant 0 : i32
    %c0_i32_1 = arith.constant 0 : i32
    return %c0_i32, %c0_i32_0 : i32, i32
  }
  func.func @transform_2(%arg0: i32) -> (i32, i32) {
    %c0_i32 = arith.constant 0 : i32
    %c0_i32_0 = arith.constant 0 : i32
    %c0_i32_1 = arith.constant 0 : i32
    return %c0_i32, %c0_i32_0 : i32, i32
  }
  func.func @transform_3(%arg0: i32) -> i32 {
    %c0_i32 = arith.constant 0 : i32
    return %arg0 : i32
  }
  func.func @transform_4(%arg0: i32) -> (i32, i32) {
    %c0_i32 = arith.constant 0 : i32
    %c0_i32_0 = arith.constant 0 : i32
    %c0_i32_1 = arith.constant 0 : i32
    return %c0_i32, %c0_i32_0 : i32, i32
  }
}

</mosaic_0001>

<sc_bundles>
// kernel: kernel.4.cloned.1.call-start
scs
__scs_entry_jumppad:
0x0: {  	(pc) =	sbr.rel $0x88, $3  }
0x1: {  	(tag) =	ssettag $0x0;
	lr =	simm.s32 $0x1  }
0x2: {  	[smem:$0x3F9F] =	sst lr;
	_ =	strace $0xD0000000  }
0x3: {  	_ = 	snop  }
0x4: {  	_ = 	snop  }
0x5: {  	_ = 	snop  }
0x6: {  	_ = 	snop  }
0x7: {  	_ = 	snop  }
__scs_overlays_trampoline_lowered:
0x8: {  	[smem:$0x3FAE] =	sst s0  }
0x9: {  	[smem:$0x3FAF] =	sst s1  }
0xa: {  	[smem:$0x3FB0] =	sst s2  }
0xb: {  	[smem:$0x3FB1] =	sst s3  }
0xc: {  	[smem:$0x3FB2] =	sst s4  }
0xd: {  	[smem:$0x3FB3] =	sst s5  }
0xe: {  	[smem:$0x3FB4] =	sst s6  }
0xf: {  	[smem:$0x3FB5] =	sst s7  }
0x10: {  	[smem:$0x3FB6] =	sst s8  }
0x11: {  	[smem:$0x3FB7] =	sst s9;
	s0 =	simm.s32 @!p0 $0x0  }
0x12: {  	s1 =	sld [smem:$0x3F9D];
	s0 =	simm.s32 @p0 $0x1  }
0x13: {  	[smem:$0x3FB8] =	sst s0;
	s0 =	simm.s32 @!p1 $0x0  }
0x14: {  	s2 =	sld [smem:$0x3F9C];
	s0 =	simm.s32 @p1 $0x1  }
0x15: {  	[smem:$0x3FB9] =	sst s0;
	s0 =	simm.s32 @!p2 $0x0  }
0x16: {  	s3 =	sld [smem:$0x3FDB];
	s0 =	simm.s32 @p2 $0x1  }
0x17: {  	s4 =	simm.s32 $0x1BF5;
	[smem:$0x3FBB] =	sst s0  }
0x18: {  	s0 =	sld [smem:$0x3F9E];
	_ =	swait.ge [sflag:s4], $0x0  }
0x19: {  	s7 =	sld [smem:$0x3F9F]  }
0x1a: {  	s8 =	sadd.s32 $0xFFFFE003, lr  }
0x1b: {  	s9 =	sadd.s32 $0xFFFFFEF7, lr;
	s5 =	simm.s32 $0xFFFFFFFF;
	p2 =	slt.u32 s8, $0xFFFFF086  }
0x1c: {  	p1 =	slt.u32 s9, $0xF7A;
	s5 =	simm.s32 @!p2 $0x0  }
0x1d: {  	s5 =	simm.s32 @p1 $0x1;
	p0 =	seq.s32 s7, s2  }
0x1e: {  	s7 =	smul.u32 @!p0 $0xF7A, s2;
	p2 =	seq.s32 @!p0 s5, $0x0  }
0x1f: {  	s9 =	smul.u32 $0xF7A, s1;
	s8 =	simm.s32 @!p0 $0x1BF5;
	p2 =	por !p2, p0  }
0x20: {  	[sflag:s8] =	ssyncset.s32 @!p0 $0xFFFFF086;
	s6 =	sadd.s32 @!p0 s3, s7;
	s7 =	simm.s32 @!p0 $0x108  }
0x21: {  	s3 =	sadd.s32 s3, s9;
	s6 =	sadd.s32 @!p0 $0x88, s6;
	s7 =	simm.s32 @p2 $0x1082  }
0x22: {  	[simem:s7], [sflag:s8] =	dma.local @!p0 [hbm:s6], $0xF7A  }
0x23: {  	s9 =	sor.u32 $0xD0000000, s2;
	s6 =	simm.s32 $0x108;
	_ =	swait.ge @!p0 [sflag:s8], $0x0  }
0x24: {  	s3 =	sadd.s32 $0x88, s3;
	s6 =	simm.s32 @!p1 $0x1082;
	[sflag:s4] =	ssyncset.s32 $0xFFFFF086  }
0x25: {  	[simem:s6], [sflag:s4] =	dma.local [hbm:s3], $0xF7A  }
0x26: {  	[smem:$0x3F9F] =	sst s1;
	(tag) =	ssettag s2;
	_ =	strace s9  }
0x27: {  	s1 =	sld [smem:$0x3FAF]  }
0x28: {  	s2 =	sld [smem:$0x3FB0]  }
0x29: {  	s4 =	sld [smem:$0x3FB2]  }
0x2a: {  	p0 =	seq.s32 s5, $0x0;
	s5 =	sld [smem:$0x3FB3]  }
0x2b: {  	s6 =	sld [smem:$0x3FB4]  }
0x2c: {  	s7 =	sld [smem:$0x3FB5]  }
0x2d: {  	s3 =	simm.s32 $0x108;
	s8 =	sld [smem:$0x3FB6]  }
0x2e: {  	s3 =	simm.s32 @!p0 $0x1082;
	s9 =	sld [smem:$0x3FB7]  }
0x2f: {  	lr =	sadd.s32 s0, s3;
	s0 =	sld [smem:$0x3FAE]  }
0x30: {  	s3 =	sld [smem:$0x3FB1]  }
0x31: {  	[smem:$0x3FBA] =	sst s10  }
0x32: {  	s10 =	sld [smem:$0x3FB8];
	_ =	sdelay $0x3  }
0x33: {  	p0 =	seq.s32 s10, $0x1;
	s10 =	sld [smem:$0x3FBA];
	_ =	sdelay $0x3  }
0x34: {  	[smem:$0x3FBA] =	sst s10  }
0x35: {  	s10 =	sld [smem:$0x3FB9];
	_ =	sdelay $0x3  }
0x36: {  	p1 =	seq.s32 s10, $0x1;
	s10 =	sld [smem:$0x3FBA];
	_ =	sdelay $0x3  }
0x37: {  	[smem:$0x3FBA] =	sst s10  }
0x38: {  	s10 =	sld [smem:$0x3FBB]  }
0x39: {  	_ = 	snop;
	(pc) =	sbr.ind lr, $3  }
0x3a: {  	_ = 	snop  }
0x3b: {  	_ = 	snop  }
0x3c: {  	p2 =	seq.s32 s10, $0x1;
	s10 =	sld [smem:$0x3FBA]  }
0x3d: {  	_ =	shalt  }
0x3e: {  	_ =	shalt  }
0x3f: {  	_ =	shalt  }
0x40: {  	_ =	shalt  }
0x41: {  	_ =	shalt  }
0x42: {  	_ =	shalt  }
0x43: {  	_ =	shalt  }
0x44: {  	_ =	shalt  }
0x45: {  	_ =	shalt  }
0x46: {  	_ =	shalt  }
0x47: {  	_ =	shalt  }
0x48: {  	_ =	shalt  }
0x49: {  	_ =	shalt  }
0x4a: {  	_ =	shalt  }
0x4b: {  	_ =	shalt  }
0x4c: {  	_ =	shalt  }
0x4d: {  	_ =	shalt  }
0x4e: {  	_ =	shalt  }
0x4f: {  	_ =	shalt  }
0x50: {  	_ =	shalt  }
0x51: {  	_ =	shalt  }
0x52: {  	_ =	shalt  }
0x53: {  	_ =	shalt  }
0x54: {  	_ =	shalt  }
0x55: {  	_ =	shalt  }
0x56: {  	_ =	shalt  }
0x57: {  	_ =	shalt  }
0x58: {  	_ =	shalt  }
0x59: {  	_ =	shalt  }
0x5a: {  	_ =	shalt  }
0x5b: {  	_ =	shalt  }
0x5c: {  	_ =	shalt  }
0x5d: {  	_ =	shalt  }
0x5e: {  	_ =	shalt  }
0x5f: {  	_ =	shalt  }
0x60: {  	_ =	shalt  }
0x61: {  	_ =	shalt  }
0x62: {  	_ =	shalt  }
0x63: {  	_ =	shalt  }
0x64: {  	_ =	shalt  }
0x65: {  	_ =	shalt  }
0x66: {  	_ =	shalt  }
0x67: {  	_ =	shalt  }
0x68: {  	_ =	shalt  }
0x69: {  	_ =	shalt  }
0x6a: {  	_ =	shalt  }
0x6b: {  	_ =	shalt  }
0x6c: {  	_ =	shalt  }
0x6d: {  	_ =	shalt  }
0x6e: {  	_ =	shalt  }
0x6f: {  	_ =	shalt  }
0x70: {  	_ =	shalt  }
0x71: {  	_ =	shalt  }
0x72: {  	_ =	shalt  }
0x73: {  	_ =	shalt  }
0x74: {  	_ =	shalt  }
0x75: {  	_ =	shalt  }
0x76: {  	_ =	shalt  }
0x77: {  	_ =	shalt  }
0x78: {  	_ =	shalt  }
0x79: {  	_ =	shalt  }
0x7a: {  	_ =	shalt  }
0x7b: {  	_ =	shalt  }
0x7c: {  	_ =	shalt  }
0x7d: {  	_ =	shalt  }
0x7e: {  	_ =	shalt  }
0x7f: {  	_ =	shalt  }
0x80: {  	_ =	shalt  }
0x81: {  	_ =	shalt  }
0x82: {  	_ =	shalt  }
0x83: {  	_ =	shalt  }
0x84: {  	_ =	shalt  }
0x85: {  	_ =	shalt  }
0x86: {  	_ =	shalt  }
0x87: {  	_ =	shalt  }
.Lfunc_end0:
.L_simem_size_0:
called_computation_lowered:
.L_overlay_start_0:
0x88: {  	s2 =	sld [smem:$0x3FD9]  }
0x89: {  	s3 =	sld [smem:$0x3FFE];
	_ =	sdelay $0x1  }
0x8a: {  	s1 =	srdreg.scid  }
0x8b: {  	s0 =	sand.u32 $0x1, s1  }
0x8c: {  	s14 =	sshll.u32 s0, $0xA;
	s2 =	sadd.s32 s3, s2  }
0x8d: {  	s2 =	sadd.s32 s2, s14  }
0x8e: {  	[smem:$0x3FC6] =	sst s2  }
0x8f: {  	_ = 	snop  }
0x90: {  	s2 =	sld [smem:$0x3FD0];
	_ =	sdelay $0x2  }
0x91: {  	s15 =	simm.s32 $0xA;
	s4 =	simm.s32 $0x10  }
0x92: {  	[smem:s4], [sflag:s15] =	dma.local [hbm:s2], $0x1  }
0x93: {  	_ =	swait.eq [sflag:s15], $0x1  }
0x94: {  	[sflag:s15] =	ssyncset.done $0x0  }
0x95: {  	[sflag:s15] =	ssyncadd.s32 $0xFFFFFFFF  }
0x96: {  	s16 =	sld [smem:$0x10];
	(tm) =	ssettm $0x1  }
0x97: {  	s17 =	sld [smem:$0x3FFB];
	_ =	sdelay $0x3  }
0x98: {  	_ =	strace s17  }
0x99: {  	s3 =	sld [smem:$0x3FFC];
	_ =	sdelay $0x3  }
0x9a: {  	_ =	strace s3  }
0x9b: {  	s3 =	sld [smem:$0x3FFD];
	_ =	sdelay $0x3  }
0x9c: {  	_ =	strace s3  }
0x9d: {  	_ =	strace $0x8FFFFFFF  }
0x9e: {  	s18 =	sld [smem:$0x3FDB];
	_ =	sdelay $0x1  }
0x9f: {  	s19 =	simm.s32 $_scs_section_size  }
0xa0: {  	s5 =	simm.s32 $_size__tile_overlayer_lowered;
	s6 =	simm.s32 $_tile_overlayer_lowered  }
0xa1: {  	s22 =	simm.s32 $0x1BFF;
	s21 =	sshll.u32 s6, $0x1;
	s3 =	sadd.s32 s19, s18  }
0xa2: {  	s7 =	simm.s32 $0x0;
	s20 =	sshll.u32 s5, $0x1;
	s5 =	sadd.s32 s21, s3  }
0xa3: {  	[timem:s7], [sflag:s22] =	dma.local [hbm:s5], s20  }
0xa4: {  	_ =	swait.ge [sflag:s22], s20  }
0xa5: {  	s4 =	ssub.s32 $0x0, s20;
	[sflag:s22] =	ssyncset.done $0x0  }
0xa6: {  	[sflag:s22] =	ssyncadd.s32 s4;
	_ =	sdelay $0x1  }
0xa7: {  	s23 =	simm.s32 $0x1B8B  }
0xa8: {  	_ =	swait.ge [sflag:s23], $0x1  }
0xa9: {  	[sflag:s23] =	ssyncset.done $0x0  }
0xaa: {  	s25 =	simm.s32 $0x1B8E;
	s24 =	sld [smem:$0x3FFE];
	[sflag:s23] =	ssyncadd.s32 $0xFFFFFFFF  }
0xab: {  	s26 =	simm.s32 $execute0_lowered;
	[smem:$0x3FD2] =	sst s25  }
0xac: {  	s5 =	sshll.u32 s26, $0x1;
	_ =	strace $0x80000046;
	[dreg:$0x1] =	wrdreg $0xFFFFFFFF  }
0xad: {  	s28 =	simm.s32 $_size_execute0_lowered;
	s3 =	sadd.s32 s3, s5;
	[dreg:$0x0] =	wrdreg $0x0  }
0xae: {  	s5 =	sshll.u32 s28, $0x1;
	[dreg:$0x2] =	wrdreg s3  }
0xaf: {  	[dreg:$0x3] =	wrdreg s5  }
0xb0: {  	[dreg:$0x4] =	wrdreg $0xC0  }
0xb1: {  	_ =	task [dreg:s7], $0x5FFFF  }
0xb2: {  	[dreg:$0x1] =	wrdreg $0xFFFFFFFF  }
0xb3: {  	[dreg:$0x0] =	wrdreg $0x60  }
0xb4: {  	[dreg:$0x2] =	wrdreg s16  }
0xb5: {  	[dreg:$0x3] =	wrdreg s24  }
0xb6: {  	[dreg:$0x4] =	wrdreg $0x9  }
0xb7: {  	_ =	task.clear_ibuf [dreg:s7], $0x5FFFF;
	_ =	strace $0x90000046  }
0xb8: {  	s29 =	simm.s32 $0x9;
	_ =	strace $0x80000048  }
0xb9: {  	_ =	swait.ge [sflag:s29], $0x1  }
0xba: {  	[sflag:s29] =	ssyncadd.s32 $0xFFFFFFFF  }
0xbb: {  	_ =	strace $0x90000048  }
0xbc: {  	_ =	sfence  }
0xbd: {  	s30 =	sld [smem:$0x0];
	_ =	sdelay $0x2  }
0xbe: {  	s31 =	sshll.u32 s1, $0xD;
	s1 =	sshrl.u32 s1, $0x2  }
0xbf: {  	s3 =	sand.u32 $0x4000, s31;
	s1 =	sadd.s32 s1, s30  }
0xc0: {  	s0 =	sor.u32 s3, s0;
	s1 =	sshll.u32 s1, $0x11  }
0xc1: {  	s0 =	sor.u32 s1, s0  }
0xc2: {  	s0 =	sadd.s32 $0x8F2B, s0  }
0xc3: {  	[sflag:s0] =	ssyncadd.remote.s32 $0x1  }
0xc4: {  	_ =	sfence.sel $0xFFFF  }
0xc5: {  	[dreg:$0x0] =	wrdreg $0xFFFFFFFF;
	(pc) =	sbr.abs _section_cstart, $3  }
0xc6: {  	[dreg:$0x1] =	wrdreg $0xFFFFFFFF  }
0xc7: {  	_ =	task.clear_ibuf [dreg:s7], $0x2FFFF;
	_ =	strace $0x9FFFFFFF  }
0xc8: {  	(tm) =	ssettm $0x7FFFFFFF  }
0xc9: {  	_ =	shalt  }
tec
execute0_lowered:
.L_overlay_start_1:
0x0: {  	(tag) =	ssettag $0x1  }
0x1: {  	s1 =	srdreg.scid;
	s0 =	stileid.u32  }
0x2: {  	s1 =	sand.u32 $0x1, s1;
	s3 =	sshll.u32 s0, $0x1  }
0x3: {  	s20 =	sor.u32 s1, s3  }
0x4: {  	s4 =	smul.u32 $0x90, s20  }
0x5: {  	s19 =	rddreg [dreg:$0x1]  }
0x6: {  	s2 =	rddreg [dreg:$0x0];
	s3 =	simm.s32 $0x0;
	s4 =	sadd.s32 s4, s19  }
0x7: {  	[smem:$0x7FF] =	sst s3;
	s4 =	sadd.s32 $0xC00, s4  }
0x8: {  	_ =	strace $0x80000047;
	[dreg:$0x3] =	wrdreg s4  }
0x9: {  	s4 =	simm.s32 $0x3;
	s5 =	rddreg [dreg:$0x3]  }
0xa: {  	[tilespmem:s3], [sflag:$0x3] =	stream.linear.gather [hbm4b:s5+s3], $0x480, $0x38;
	[tilespmem:$0x1C480] =	vst v63  }
0xb: {  	_ =	swait.ge [sflag:s4], $0x480  }
0xc: {  	[sflag:s4] =	ssyncset.done $0x0  }
0xd: {  	s6 =	simm.s32 $0x480;
	s5 =	simm.s32 $0x80;
	[sflag:s4] =	ssyncadd.s32 $0xFFFFFB80  }
0xe: {  	[tilespmem:s6], [sflag:$0x1] =	stream.indirect.gather [hbm4b:s2+s5], $0x80, s3, s5, $0xb8;
	[tilespmem:$0x1C480] =	vst v63  }
0xf: {  	s7 =	simm.s32 $0x4480  }
0x10: {  	[tilespmem:s7], [sflag:$0x1] =	stream.indirect.gather [hbm4b:s2+s5], $0x80, s5, s5, $0xb8;
	[tilespmem:$0x1C480] =	vst v63  }
0x11: {  	s8 =	simm.s32 $0x100;
	s9 =	simm.s32 $0x8480  }
0x12: {  	[tilespmem:s9], [sflag:$0x1] =	stream.indirect.gather [hbm4b:s2+s5], $0x80, s8, s5, $0xb8;
	[tilespmem:$0x1C480] =	vst v63  }
0x13: {  	s10 =	simm.s32 $0x180;
	s11 =	simm.s32 $0xC480  }
0x14: {  	[tilespmem:s11], [sflag:$0x1] =	stream.indirect.gather [hbm4b:s2+s5], $0x80, s10, s5, $0xb8;
	[tilespmem:$0x1C480] =	vst v63  }
0x15: {  	s12 =	simm.s32 $0x200;
	s13 =	simm.s32 $0x10480  }
0x16: {  	[tilespmem:s13], [sflag:$0x1] =	stream.indirect.gather [hbm4b:s2+s5], $0x80, s12, s5, $0xb8;
	[tilespmem:$0x1C480] =	vst v63  }
0x17: {  	s14 =	simm.s32 $0x280;
	s15 =	simm.s32 $0x14480  }
0x18: {  	[tilespmem:s15], [sflag:$0x1] =	stream.indirect.gather [hbm4b:s2+s5], $0x80, s14, s5, $0xb8;
	[tilespmem:$0x1C480] =	vst v63  }
0x19: {  	s16 =	simm.s32 $0x300;
	s17 =	simm.s32 $0x18480;
	s18 =	simm.s32 $0x1  }
0x1a: {  	[tilespmem:s17], [sflag:$0x1] =	stream.indirect.gather [hbm4b:s2+s5], $0x80, s16, s5, $0xb8;
	[tilespmem:$0x1C480] =	vst v63  }
0x1b: {  	s21 =	smul.u32 $0x4800, s20;
	_ =	swait.ge [sflag:s18], $0x4000  }
0x1c: {  	s22 =	sadd.s32 $0x1E00, s19;
	[sflag:s18] =	ssyncset.done $0x0  }
0x1d: {  	s19 =	sadd.s32 s22, s21;
	[sflag:s18] =	ssyncadd.s32 $0xFFFFC000  }
0x1e: {  	[hbm4b:s19+s3] =	stream.linear.scatter [tilespmem:s6], [sflag:$0x3], $0x4000, $0x38;
	[tilespmem:$0x1C480] =	vst v63  }
0x1f: {  	_ =	swait.ge [sflag:s4], $0x4000  }
0x20: {  	[sflag:s4] =	ssyncset.done $0x0  }
0x21: {  	s26 =	smul.u32 $0x24000, s20;
	s20 =	simm.s32 $0x380;
	[sflag:s4] =	ssyncadd.s32 $0xFFFFC000  }
0x22: {  	[tilespmem:s6], [sflag:$0x1] =	stream.indirect.gather [hbm4b:s2+s5], $0x80, s20, s5, $0xb8;
	[tilespmem:$0x1C480] =	vst v63  }
0x23: {  	s21 =	sshrl.u32 s26, $0x3;
	_ =	swait.ge [sflag:s18], $0x4000  }
0x24: {  	s30 =	sadd.s32 s22, s21;
	[sflag:s18] =	ssyncset.done $0x0  }
0x25: {  	s21 =	sadd.s32 $0x800, s30;
	[sflag:s18] =	ssyncadd.s32 $0xFFFFC000  }
0x26: {  	[hbm4b:s21+s3] =	stream.linear.scatter [tilespmem:s7], [sflag:$0x3], $0x4000, $0x38;
	[tilespmem:$0x1C480] =	vst v63  }
0x27: {  	_ =	swait.ge [sflag:s4], $0x4000  }
0x28: {  	[sflag:s4] =	ssyncset.done $0x0  }
0x29: {  	s22 =	simm.s32 $0x400;
	[sflag:s4] =	ssyncadd.s32 $0xFFFFC000  }
0x2a: {  	[tilespmem:s7], [sflag:$0x1] =	stream.indirect.gather [hbm4b:s2+s5], $0x80, s22, s5, $0xb8;
	[tilespmem:$0x1C480] =	vst v63  }
0x2b: {  	_ =	swait.ge [sflag:s18], $0x4000  }
0x2c: {  	[sflag:s18] =	ssyncset.done $0x0  }
0x2d: {  	s23 =	sadd.s32 $0x1000, s30;
	[sflag:s18] =	ssyncadd.s32 $0xFFFFC000  }
0x2e: {  	[hbm4b:s23+s3] =	stream.linear.scatter [tilespmem:s9], [sflag:$0x2], $0x4000, $0x38;
	[tilespmem:$0x1C480] =	vst v63  }
0x2f: {  	_ =	swait.ge [sflag:s18], $0x4000  }
0x30: {  	[sflag:s18] =	ssyncset.done $0x0  }
0x31: {  	s24 =	sadd.s32 $0x1800, s30;
	[sflag:s18] =	ssyncadd.s32 $0xFFFFC000  }
0x32: {  	[hbm4b:s24+s3] =	stream.linear.scatter [tilespmem:s11], [sflag:$0x2], $0x4000, $0x38;
	[tilespmem:$0x1C480] =	vst v63  }
0x33: {  	_ =	swait.ge [sflag:s18], $0x4000  }
0x34: {  	[sflag:s18] =	ssyncset.done $0x0  }
0x35: {  	s25 =	sadd.s32 $0x2000, s30;
	[sflag:s18] =	ssyncadd.s32 $0xFFFFC000  }
0x36: {  	[hbm4b:s25+s3] =	stream.linear.scatter [tilespmem:s13], [sflag:$0x2], $0x4000, $0x38;
	[tilespmem:$0x1C480] =	vst v63  }
0x37: {  	_ =	swait.ge [sflag:s18], $0x4000  }
0x38: {  	[sflag:s18] =	ssyncset.done $0x0  }
0x39: {  	s26 =	sadd.s32 $0x2800, s30;
	[sflag:s18] =	ssyncadd.s32 $0xFFFFC000  }
0x3a: {  	[hbm4b:s26+s3] =	stream.linear.scatter [tilespmem:s15], [sflag:$0x2], $0x4000, $0x38;
	[tilespmem:$0x1C480] =	vst v63  }
0x3b: {  	_ =	swait.ge [sflag:s18], $0x4000  }
0x3c: {  	[sflag:s18] =	ssyncset.done $0x0  }
0x3d: {  	s28 =	sadd.s32 $0x3000, s30;
	[sflag:s18] =	ssyncadd.s32 $0xFFFFC000  }
0x3e: {  	[hbm4b:s28+s3] =	stream.linear.scatter [tilespmem:s17], [sflag:$0x2], $0x4000, $0x38;
	[tilespmem:$0x1C480] =	vst v63  }
0x3f: {  	_ =	swait.ge [sflag:s18], $0x4000  }
0x40: {  	[sflag:s18] =	ssyncset.done $0x0  }
0x41: {  	s29 =	sadd.s32 $0x3800, s30;
	[sflag:s18] =	ssyncadd.s32 $0xFFFFC000  }
0x42: {  	[hbm4b:s29+s3] =	stream.linear.scatter [tilespmem:s6], [sflag:$0x2], $0x4000, $0x38;
	[tilespmem:$0x1C480] =	vst v63  }
0x43: {  	_ =	swait.ge [sflag:s18], $0x4000  }
0x44: {  	[sflag:s18] =	ssyncset.done $0x0  }
0x45: {  	s31 =	simm.s32 $0x2;
	s30 =	sadd.s32 $0x4000, s30;
	[sflag:s18] =	ssyncadd.s32 $0xFFFFC000  }
0x46: {  	[hbm4b:s30+s3] =	stream.linear.scatter [tilespmem:s7], [sflag:$0x2], $0x4000, $0x38;
	[tilespmem:$0x1C480] =	vst v63  }
0x47: {  	_ =	swait.ge [sflag:s31], $0x4000  }
0x48: {  	[sflag:s31] =	ssyncset.done $0x0  }
0x49: {  	[sflag:s31] =	ssyncadd.s32 $0xFFFFC000  }
0x4a: {  	_ =	swait.ge [sflag:s31], $0x4000  }
0x4b: {  	[sflag:s31] =	ssyncset.done $0x0  }
0x4c: {  	[sflag:s31] =	ssyncadd.s32 $0xFFFFC000  }
0x4d: {  	_ =	swait.ge [sflag:s31], $0x4000  }
0x4e: {  	[sflag:s31] =	ssyncset.done $0x0  }
0x4f: {  	[sflag:s31] =	ssyncadd.s32 $0xFFFFC000  }
0x50: {  	s1 =	ssub.s32 $0x2, s1;
	_ =	swait.ge [sflag:s31], $0x4000  }
0x51: {  	s0 =	sshrl.u32 s1, $0x1;
	[sflag:s31] =	ssyncset.done $0x0  }
0x52: {  	s0 =	ssub.s32 s1, s0;
	[sflag:s31] =	ssyncadd.s32 $0xFFFFC000  }
0x53: {  	s0 =	smax.u32 s0, $0x1;
	_ =	swait.ge [sflag:s31], $0x4000  }
0x54: {  	p0 =	sne.s32 s0, $0x1;
	[sflag:s31] =	ssyncset.done $0x0  }
.Ltmp0:
0x55: {  	[sflag:s31] =	ssyncadd.s32 $0xFFFFC000;
	(pc) =	sbr.rel @!p0 .LBB2_2-.Ltmp0, $4  }
0x56: {  	_ =	swait.ge [sflag:s31], $0x4000  }
0x57: {  	[sflag:s31] =	ssyncset.done $0x0  }
0x58: {  	[sflag:s31] =	ssyncadd.s32 $0xFFFFC000  }
0x59: {  	s1 =	sadd.s32 $0xFFFFFFFF, s0;
	_ =	swait.ge [sflag:s31], $0x4000  }
.LBB2_1:
0x5a: {  	[sflag:s31] =	ssyncset.done $0x0  }
0x5b: {  	s0 =	rddreg [dreg:$0x3];
	[sflag:s31] =	ssyncadd.s32 $0xFFFFC000  }
0x5c: {  	[tilespmem:s3], [sflag:$0x3] =	stream.linear.gather [hbm4b:s0+s3], $0x480, $0x38;
	[tilespmem:$0x1C480] =	vst v63  }
0x5d: {  	_ =	swait.ge [sflag:s4], $0x480  }
0x5e: {  	[sflag:s4] =	ssyncset.done $0x0  }
0x5f: {  	[sflag:s4] =	ssyncadd.s32 $0xFFFFFB80  }
0x60: {  	[tilespmem:s6], [sflag:$0x1] =	stream.indirect.gather [hbm4b:s2+s5], $0x80, s3, s5, $0xb8;
	[tilespmem:$0x1C480] =	vst v63  }
0x61: {  	_ = 	snop  }
0x62: {  	[tilespmem:s7], [sflag:$0x1] =	stream.indirect.gather [hbm4b:s2+s5], $0x80, s5, s5, $0xb8;
	[tilespmem:$0x1C480] =	vst v63  }
0x63: {  	_ = 	snop  }
0x64: {  	[tilespmem:s9], [sflag:$0x1] =	stream.indirect.gather [hbm4b:s2+s5], $0x80, s8, s5, $0xb8;
	[tilespmem:$0x1C480] =	vst v63  }
0x65: {  	_ = 	snop  }
0x66: {  	[tilespmem:s11], [sflag:$0x1] =	stream.indirect.gather [hbm4b:s2+s5], $0x80, s10, s5, $0xb8;
	[tilespmem:$0x1C480] =	vst v63  }
0x67: {  	_ = 	snop  }
0x68: {  	[tilespmem:s13], [sflag:$0x1] =	stream.indirect.gather [hbm4b:s2+s5], $0x80, s12, s5, $0xb8;
	[tilespmem:$0x1C480] =	vst v63  }
0x69: {  	_ = 	snop  }
0x6a: {  	[tilespmem:s15], [sflag:$0x1] =	stream.indirect.gather [hbm4b:s2+s5], $0x80, s14, s5, $0xb8;
	[tilespmem:$0x1C480] =	vst v63  }
0x6b: {  	_ = 	snop  }
0x6c: {  	[tilespmem:s17], [sflag:$0x1] =	stream.indirect.gather [hbm4b:s2+s5], $0x80, s16, s5, $0xb8;
	[tilespmem:$0x1C480] =	vst v63  }
0x6d: {  	_ =	swait.ge [sflag:s18], $0x4000  }
0x6e: {  	[sflag:s18] =	ssyncset.done $0x0  }
0x6f: {  	[sflag:s18] =	ssyncadd.s32 $0xFFFFC000  }
0x70: {  	[hbm4b:s19+s3] =	stream.linear.scatter [tilespmem:s6], [sflag:$0x3], $0x4000, $0x38;
	[tilespmem:$0x1C480] =	vst v63  }
0x71: {  	_ =	swait.ge [sflag:s4], $0x4000  }
0x72: {  	[sflag:s4] =	ssyncset.done $0x0  }
0x73: {  	[sflag:s4] =	ssyncadd.s32 $0xFFFFC000  }
0x74: {  	[tilespmem:s6], [sflag:$0x1] =	stream.indirect.gather [hbm4b:s2+s5], $0x80, s20, s5, $0xb8;
	[tilespmem:$0x1C480] =	vst v63  }
0x75: {  	_ =	swait.ge [sflag:s18], $0x4000  }
0x76: {  	[sflag:s18] =	ssyncset.done $0x0  }
0x77: {  	[sflag:s18] =	ssyncadd.s32 $0xFFFFC000  }
0x78: {  	[hbm4b:s21+s3] =	stream.linear.scatter [tilespmem:s7], [sflag:$0x3], $0x4000, $0x38;
	[tilespmem:$0x1C480] =	vst v63  }
0x79: {  	_ =	swait.ge [sflag:s4], $0x4000  }
0x7a: {  	[sflag:s4] =	ssyncset.done $0x0  }
0x7b: {  	[sflag:s4] =	ssyncadd.s32 $0xFFFFC000  }
0x7c: {  	[tilespmem:s7], [sflag:$0x1] =	stream.indirect.gather [hbm4b:s2+s5], $0x80, s22, s5, $0xb8;
	[tilespmem:$0x1C480] =	vst v63  }
0x7d: {  	_ =	swait.ge [sflag:s18], $0x4000  }
0x7e: {  	[sflag:s18] =	ssyncset.done $0x0  }
0x7f: {  	[sflag:s18] =	ssyncadd.s32 $0xFFFFC000  }
0x80: {  	[hbm4b:s23+s3] =	stream.linear.scatter [tilespmem:s9], [sflag:$0x2], $0x4000, $0x38;
	[tilespmem:$0x1C480] =	vst v63  }
0x81: {  	_ =	swait.ge [sflag:s18], $0x4000  }
0x82: {  	[sflag:s18] =	ssyncset.done $0x0  }
0x83: {  	[sflag:s18] =	ssyncadd.s32 $0xFFFFC000  }
0x84: {  	[hbm4b:s24+s3] =	stream.linear.scatter [tilespmem:s11], [sflag:$0x2], $0x4000, $0x38;
	[tilespmem:$0x1C480] =	vst v63  }
0x85: {  	_ =	swait.ge [sflag:s18], $0x4000  }
0x86: {  	[sflag:s18] =	ssyncset.done $0x0  }
0x87: {  	[sflag:s18] =	ssyncadd.s32 $0xFFFFC000  }
0x88: {  	[hbm4b:s25+s3] =	stream.linear.scatter [tilespmem:s13], [sflag:$0x2], $0x4000, $0x38;
	[tilespmem:$0x1C480] =	vst v63  }
0x89: {  	_ =	swait.ge [sflag:s18], $0x4000  }
0x8a: {  	[sflag:s18] =	ssyncset.done $0x0  }
0x8b: {  	[sflag:s18] =	ssyncadd.s32 $0xFFFFC000  }
0x8c: {  	[hbm4b:s26+s3] =	stream.linear.scatter [tilespmem:s15], [sflag:$0x2], $0x4000, $0x38;
	[tilespmem:$0x1C480] =	vst v63  }
0x8d: {  	_ =	swait.ge [sflag:s18], $0x4000  }
0x8e: {  	[sflag:s18] =	ssyncset.done $0x0  }
0x8f: {  	[sflag:s18] =	ssyncadd.s32 $0xFFFFC000  }
0x90: {  	[hbm4b:s28+s3] =	stream.linear.scatter [tilespmem:s17], [sflag:$0x2], $0x4000, $0x38;
	[tilespmem:$0x1C480] =	vst v63  }
0x91: {  	_ =	swait.ge [sflag:s18], $0x4000  }
0x92: {  	[sflag:s18] =	ssyncset.done $0x0  }
0x93: {  	[sflag:s18] =	ssyncadd.s32 $0xFFFFC000  }
0x94: {  	[hbm4b:s29+s3] =	stream.linear.scatter [tilespmem:s6], [sflag:$0x2], $0x4000, $0x38;
	[tilespmem:$0x1C480] =	vst v63  }
0x95: {  	_ =	swait.ge [sflag:s18], $0x4000  }
0x96: {  	[sflag:s18] =	ssyncset.done $0x0  }
0x97: {  	[sflag:s18] =	ssyncadd.s32 $0xFFFFC000  }
0x98: {  	[hbm4b:s30+s3] =	stream.linear.scatter [tilespmem:s7], [sflag:$0x2], $0x4000, $0x38;
	[tilespmem:$0x1C480] =	vst v63  }
0x99: {  	_ =	swait.ge [sflag:s31], $0x4000  }
0x9a: {  	[sflag:s31] =	ssyncset.done $0x0  }
0x9b: {  	[sflag:s31] =	ssyncadd.s32 $0xFFFFC000  }
0x9c: {  	_ =	swait.ge [sflag:s31], $0x4000  }
0x9d: {  	[sflag:s31] =	ssyncset.done $0x0  }
0x9e: {  	[sflag:s31] =	ssyncadd.s32 $0xFFFFC000  }
0x9f: {  	_ =	swait.ge [sflag:s31], $0x4000  }
0xa0: {  	[sflag:s31] =	ssyncset.done $0x0  }
0xa1: {  	[sflag:s31] =	ssyncadd.s32 $0xFFFFC000  }
0xa2: {  	_ =	swait.ge [sflag:s31], $0x4000  }
0xa3: {  	[sflag:s31] =	ssyncset.done $0x0  }
0xa4: {  	[sflag:s31] =	ssyncadd.s32 $0xFFFFC000  }
0xa5: {  	_ =	swait.ge [sflag:s31], $0x4000  }
0xa6: {  	p0 =	sne.s32 s1, $0x1;
	[sflag:s31] =	ssyncset.done $0x0  }
.Ltmp1:
0xa7: {  	[sflag:s31] =	ssyncadd.s32 $0xFFFFC000;
	(pc) =	sbr.rel @p0 .LBB2_1-.Ltmp1, $4  }
0xa8: {  	_ =	swait.ge [sflag:s31], $0x4000  }
0xa9: {  	[sflag:s31] =	ssyncset.done $0x0  }
0xaa: {  	[sflag:s31] =	ssyncadd.s32 $0xFFFFC000  }
0xab: {  	s1 =	sadd.s32 $0xFFFFFFFF, s1;
	_ =	swait.ge [sflag:s31], $0x4000  }
.LBB2_2:
0xac: {  	[sflag:s31] =	ssyncset.done $0x0  }
0xad: {  	[sflag:s31] =	ssyncadd.s32 $0xFFFFC000  }
0xae: {  	_ =	sfence.sel $0x180000  }
0xaf: {  	[bflag:$0x0] =	sbarrier.arrive $0xFFFF  }
0xb0: {  	_ =	strace $0x90000047  }
0xb1: {  	s0 =	stileid.u32;
	[bflag:$0x2] =	sbarrier.arrive $0xFFFF  }
0xb2: {  	p0 =	sne.s32 s0, $0x0;
	s0 =	rddreg [dreg:$0x2]  }
0xb3: {  	s0 =	sadd.s32 @!p0 $0x100000, s0  }
0xb4: {  	[sflag:s0] =	ssyncadd.tile.s32 @!p0 $0x1;
	_ =	shalt  }
.Lfunc_end2:
_tile_overlayer_lowered:
.L_overlay_start_2:
0xb5: {  	(tag) =	ssettag $0x2  }
0xb6: {  	s0 =	rddreg [dreg:$0x0];
	s2 =	stileid.u32  }
0xb7: {  	s1 =	rddreg [dreg:$0x1];
	p0 =	sne.s32 s2, $0x0  }
0xb8: {  	s3 =	rddreg [dreg:$0x2];
	[bflag:$0x3] =	sbarrier.arrive $0xFFFF;
	s2 =	simm.s32 @!p0 $0x1C03  }
0xb9: {  	[timem:s3], [sflag:s2] =	dma.local @!p0 [hbm:s0], s1  }
0xba: {  	s0 =	simm.s32 @!p0 $0x3  }
0xbb: {  	_ =	swait.ge @!p0 [sflag:s0], s1  }
0xbc: {  	s1 =	ssub.s32 @!p0 $0x0, s1;
	[sflag:s0] =	ssyncset.done @!p0 $0x0  }
0xbd: {  	[sflag:s0] =	ssyncadd.s32 @!p0 s1  }
0xbe: {  	[bflag:$0x3] =	sbarrier.arrive $0xFFFF  }
0xbf: {  	_ =	shalt  }

</sc_bundles>
